<compile_context>
chip_gen: v7x
topology: tpu7x:2x2x1
jax: 0.10.2.dev20260603
libtpu: 0.0.44.dev20260713+nightly
codegen_flags: <defaults>
</compile_context>

<pallas_src>
import functools

import jax
import jax.numpy as jnp
from jax import lax
from jax.experimental import pallas as pl
from jax.experimental.pallas import tpu as pltpu
from jax.experimental.pallas import tpu_sc as plsc

N = 10000
E = 320000
D = 128
U = 128
NC = 2
NS = 16
NW = NC * NS
EPW = E // NW
C = 80
CH = EPW // C
HD = D // NC
EPS = E // NS
C2 = 125
CH2 = EPS // C2
NB = 4
RPS = 624
ZR = 208

_mesh = plsc.VectorSubcoreMesh(core_axis_name="c", subcore_axis_name="s")


@functools.partial(
    pl.kernel,
    out_type=jax.ShapeDtypeStruct((NC * N,), jnp.float32),
    mesh=_mesh,
    scratch_types=[
        pltpu.VMEM((CH, C), jnp.int32),
        pltpu.VMEM((C,), jnp.float32),
        pltpu.VMEM((640,), jnp.float32),
        pltpu.VMEM_SHARED((N,), jnp.float32),
        pltpu.SemaphoreType.DMA,
        pltpu.SemaphoreType.DMA,
    ],
)
def _deg_phase(row_hbm, out_hbm, rowv, ones_v, zv, acc, d0, d1):
    c = lax.axis_index("c")
    s = lax.axis_index("s")
    w = s * NC + c
    pltpu.sync_copy(row_hbm.at[w], rowv)

    def fill_ones(i, carry):
        ones_v[pl.ds(pl.multiple_of(i * 16, 16), 16)] = jnp.full(
            (16,), 1.0, jnp.float32)
        return carry

    lax.fori_loop(0, C // 16, fill_ones, 0)

    def fill_z(i, carry):
        zv[pl.ds(pl.multiple_of(i * 16, 16), 16)] = jnp.zeros((16,), jnp.float32)
        return carry

    lax.fori_loop(0, 40, fill_z, 0)

    @pl.when(s < 15)
    def _():
        pltpu.sync_copy(zv.at[pl.ds(0, 624)],
                        acc.at[pl.ds(pl.multiple_of(s * 624, 8), 624)])

    @pl.when(s == 15)
    def _():
        pltpu.sync_copy(zv, acc.at[pl.ds(15 * 624, 640)])

    plsc.subcore_barrier()

    def body(p, carry):
        cp0 = pltpu.async_copy(ones_v, acc.at[rowv.at[2 * p]], d0, add=True)
        cp1 = pltpu.async_copy(ones_v, acc.at[rowv.at[2 * p + 1]], d1,
                               add=True)
        cp0.wait()
        cp1.wait()
        return carry

    lax.fori_loop(0, CH // 2, body, 0)
    @pl.when(CH % 2 == 1)
    def _():
        pltpu.sync_copy(ones_v, acc.at[rowv.at[CH - 1]], add=True)
    plsc.subcore_barrier()

    @pl.when(s < 15)
    def _():
        off = pl.multiple_of(s * 624, 8)
        off_o = pl.multiple_of(c * N + s * 624, 8)
        pltpu.sync_copy(acc.at[pl.ds(off, 624)], zv.at[pl.ds(0, 624)])
        pltpu.sync_copy(zv.at[pl.ds(0, 624)], out_hbm.at[pl.ds(off_o, 624)])

    @pl.when(s == 15)
    def _():
        off_o = pl.multiple_of(c * N + 15 * 624, 8)
        pltpu.sync_copy(acc.at[pl.ds(15 * 624, 640)], zv)
        pltpu.sync_copy(zv, out_hbm.at[pl.ds(off_o, 640)])


@functools.partial(
    pl.kernel,
    out_type=jax.ShapeDtypeStruct((NC, N, HD), jnp.float32),
    mesh=_mesh,
    scratch_types=[
        pltpu.VMEM((CH2, C2), jnp.int32),
        pltpu.VMEM((CH2, C2), jnp.int32),
        pltpu.VMEM((C2, HD), jnp.float32),
        pltpu.VMEM((C2, HD), jnp.float32),
        pltpu.VMEM((C2, HD), jnp.float32),
        pltpu.VMEM((C2, HD), jnp.float32),
        pltpu.VMEM((ZR, HD), jnp.float32),
        pltpu.VMEM_SHARED((N, HD), jnp.float32),
        pltpu.SemaphoreType.DMA,
        pltpu.SemaphoreType.DMA,
        pltpu.SemaphoreType.DMA,
        pltpu.SemaphoreType.DMA,
        pltpu.SemaphoreType.DMA,
        pltpu.SemaphoreType.DMA,
        pltpu.SemaphoreType.DMA,
        pltpu.SemaphoreType.DMA,
    ],
    compiler_params=pltpu.CompilerParams(use_tc_tiling_on_sc=False),
)
def _agg_phase(xs_hbm, col_hbm, row_hbm, out_hbm, colv, rowv, b0, b1, b2, b3,
               zb, acc, g0, g1, g2, g3, s0, s1, s2, s3):
    c = lax.axis_index("c")
    s = lax.axis_index("s")
    bufs = (b0, b1, b2, b3)
    gsems = (g0, g1, g2, g3)
    ssems = (s0, s1, s2, s3)
    table = xs_hbm.at[c]
    dummy = table.at[pl.ds(0, C2)]
    pltpu.sync_copy(col_hbm.at[s], colv)
    pltpu.sync_copy(row_hbm.at[s], rowv)

    for b in range(NB):
        pltpu.async_copy(table.at[colv.at[b]], bufs[b], gsems[b])

    def zrow(i, carry):
        for k in range(HD // 16):
            zb[i, pl.ds(16 * k, 16)] = jnp.zeros((16,), jnp.float32)
        return carry

    lax.fori_loop(0, ZR, zrow, 0)
    base = pl.multiple_of(s * RPS, 8)
    for t in range(RPS // ZR):
        pltpu.sync_copy(zb, acc.at[pl.ds(base + t * ZR, ZR)])
    @pl.when(s == NS - 1)
    def _():
        pltpu.sync_copy(zb.at[pl.ds(0, 16)], acc.at[pl.ds(N - 16, 16)])
    plsc.subcore_barrier()

    def body(q, carry):
        for b in range(NB):
            j = q * NB + b
            pltpu.make_async_copy(dummy, bufs[b], gsems[b]).wait()
            pltpu.async_copy(bufs[b], acc.at[rowv.at[j]], ssems[b], add=True)
        for b in range(NB):
            j = q * NB + b + NB
            @pl.when(j < CH2)
            def _():
                pltpu.make_async_copy(dummy, bufs[b], ssems[b]).wait()
                pltpu.async_copy(table.at[colv.at[j]], bufs[b], gsems[b])
        return carry

    lax.fori_loop(0, CH2 // NB, body, 0)
    for b in range(NB):
        pltpu.make_async_copy(dummy, bufs[b], ssems[b]).wait()
    plsc.subcore_barrier()

    for t in range(RPS // ZR):
        off = pl.multiple_of(s * RPS, 8) + t * ZR
        pltpu.sync_copy(acc.at[pl.ds(off, ZR)], zb)
        pltpu.sync_copy(zb, out_hbm.at[c, pl.ds(off, ZR)])
    @pl.when(s == NS - 1)
    def _():
        pltpu.sync_copy(acc.at[pl.ds(N - 16, 16)], zb.at[pl.ds(0, 16)])
        pltpu.sync_copy(zb.at[pl.ds(0, 16)], out_hbm.at[c, pl.ds(N - 16, 16)])


def _dis_from(degp_ref):
    dp = degp_ref[0] + degp_ref[1]
    return jnp.where(dp > 0, lax.rsqrt(jnp.maximum(dp, 1e-12)), 0.0)


def _xs_body(degp_ref, x_ref, o_ref):
    xsb = x_ref[...] * _dis_from(degp_ref)
    o_ref[0] = xsb[:, :HD]
    o_ref[1] = xsb[:, HD:]


RB = 5000

_xs_tc = pl.pallas_call(
    _xs_body,
    grid=(N // RB,),
    in_specs=[
        pl.BlockSpec((NC, RB, 1), lambda i: (0, i, 0)),
        pl.BlockSpec((RB, D), lambda i: (i, 0)),
    ],
    out_specs=pl.BlockSpec((NC, RB, HD), lambda i: (0, i, 0)),
    out_shape=jax.ShapeDtypeStruct((NC, N, HD), jnp.float32),
)


def _dense_body(p_ref, degp_ref, x_ref, w1_ref, b1_ref, w2_ref, b2_ref, o_ref):
    dis = _dis_from(degp_ref)
    agg = jnp.concatenate([p_ref[0], p_ref[1]], axis=1) * dis
    x = x_ref[...]
    y1 = jnp.dot(agg, w1_ref[...], preferred_element_type=jnp.float32) + b1_ref[...]
    y2 = jnp.dot(x * agg, w2_ref[...], preferred_element_type=jnp.float32) + b2_ref[...]
    o_ref[...] = (jnp.where(y1 >= 0, y1, 0.2 * y1)
                  + jnp.where(y2 >= 0, y2, 0.2 * y2))


RD = 5000

_dense_tc = pl.pallas_call(
    _dense_body,
    grid=(N // RD,),
    in_specs=[
        pl.BlockSpec((NC, RD, HD), lambda i: (0, i, 0)),
        pl.BlockSpec((NC, RD, 1), lambda i: (0, i, 0)),
        pl.BlockSpec((RD, D), lambda i: (i, 0)),
        pl.BlockSpec((D, U), lambda i: (0, 0)),
        pl.BlockSpec((1, U), lambda i: (0, 0)),
        pl.BlockSpec((D, U), lambda i: (0, 0)),
        pl.BlockSpec((1, U), lambda i: (0, 0)),
    ],
    out_specs=pl.BlockSpec((RD, U), lambda i: (i, 0)),
    out_shape=jax.ShapeDtypeStruct((N, U), jnp.float32),
)


def kernel(x, edge_index, W1, b1, W2, b2):
    row_w = edge_index[0].reshape(NW, CH, C)
    row_s = edge_index[0].reshape(NS, CH2, C2)
    col_s = edge_index[1].reshape(NS, CH2, C2)
    degp = _deg_phase(row_w)
    degp3 = degp.reshape(NC, N, 1)
    xs2 = _xs_tc(degp3, x)
    parts = _agg_phase(xs2, col_s, row_s)
    return _dense_tc(parts, degp3, x, W1, b1.reshape(1, U), W2, b2.reshape(1, U))

# --- scband reference (transcript-rebuilt; emitter-appended) ---
"""Pipeline reference for scband-ngcfconv-90890097918587 (READ-ONLY COPY).

The authoritative reference and input builder live on the scoring server;
editing this copy changes nothing except your own understanding.
"""

import jax, jax.numpy as jnp
import numpy as np

N = 10000
E = 320000
D = 128
UNITS = 128


def setup_inputs(seed: int = 0) -> dict:
    key = jax.random.key(seed)
    k1, k2, k3, k4, k5, k6 = jax.random.split(key, 6)
    x = jax.random.normal(k1, (N, D), dtype=jnp.float32)
    edge_index = jax.random.randint(k2, (2, E), 0, N)
    # Keras Dense params (glorot-ish scaled normals), zero biases
    W1 = jax.random.normal(k3, (D, UNITS), dtype=jnp.float32) * 0.05
    b1 = jnp.zeros((UNITS,), dtype=jnp.float32)
    W2 = jax.random.normal(k4, (D, UNITS), dtype=jnp.float32) * 0.05
    b2 = jnp.zeros((UNITS,), dtype=jnp.float32)
    return {"x": x, "edge_index": edge_index, "W1": W1, "b1": b1, "W2": W2, "b2": b2}


def reference(x, edge_index, W1, b1, W2, b2):
    num_nodes = x.shape[0]
    row = edge_index[0]
    col = edge_index[1]
    # LightGCN.norm_adj: symmetric normalization D^{-1/2} A D^{-1/2}, no self-loops
    ones = jnp.ones((row.shape[0],), dtype=x.dtype)
    deg = jax.ops.segment_sum(ones, row, num_segments=num_nodes)
    deg_inv_sqrt = jnp.where(deg > 0, jax.lax.rsqrt(jnp.maximum(deg, 1e-12)), 0.0)
    w = deg_inv_sqrt[row] * deg_inv_sqrt[col]
    # normed_adj @ x : out[i] = sum_{(i,j) in E} w_ij * x[j]
    msg = jnp.take(x, col, axis=0) * w[:, None]
    agg = jax.ops.segment_sum(msg, row, num_segments=num_nodes)
    lrelu = lambda v: jax.nn.leaky_relu(v, negative_slope=0.2)  # tf.nn.leaky_relu default alpha=0.2
    h = lrelu(agg @ W1 + b1) + lrelu((x * agg) @ W2 + b2)
    # dropout with rate 0.0 at inference -> identity
    return h

if __name__ == "__main__":
    import jax
    _d = setup_inputs()
    print(jax.jit(kernel)(*tuple(_d.values())))

</pallas_src>

<mosaic_0001>
#map = affine_map<(d0, d1) -> (0, 0, 0)>
#map1 = affine_map<(d0, d1) -> (0)>
module attributes {stable_mosaic.version = 14 : i64} {
  func.func @_deg_phase(%arg0: i32, %arg1: i32, %arg2: memref<32x125x80xi32, #tpu.memory_space<hbm>>, %arg3: memref<20000xf32, #tpu.memory_space<hbm>>, %arg4: memref<125x80xi32, #tpu.memory_space<vmem>>, %arg5: memref<80xf32, #tpu.memory_space<vmem>>, %arg6: memref<640xf32, #tpu.memory_space<vmem>>, %arg7: memref<10000xf32, #tpu.memory_space<vmem_shared>>, %arg8: memref<!tpu.dma_semaphore, #tpu.memory_space<semaphore_mem>>, %arg9: memref<!tpu.dma_semaphore, #tpu.memory_space<semaphore_mem>>) attributes {dimension_semantics = [#tpu.dimension_semantics<core_parallel>, #tpu.dimension_semantics<subcore_parallel>], iteration_bounds = array<i64: 2, 16>, scalar_prefetch = 0 : i64, scratch_operands = 6 : i64, tpu.core_type = #tpu.core_type<sc_vector_subcore>, window_params = [{transform_indices = #map}, {transform_indices = #map1}]} {
    %mul3A = arith.constant 2 : i32
    %mul3A_0 = arith.muli %arg1, %mul3A : i32
    %add3A = arith.addi %mul3A_0, %arg0 : i32
    "tpu.region"() ({
      %run_scoped3A_35 = tpu.sem_alloc : memref<!tpu.dma_semaphore, #tpu.memory_space<semaphore_mem>>
      %dma_start3A = arith.constant 0 : i32
      %dma_start3A_36 = arith.constant 0 : i32
      %dma_start3A_37 = tpu.memref_slice %arg2[%add3A, %dma_start3A, %dma_start3A_36] : memref<32x125x80xi32, #tpu.memory_space<hbm>> -> memref<1x125x80xi32, #tpu.memory_space<hbm>>
      %dma_start3A_38 = tpu.memref_squeeze %dma_start3A_37 : memref<1x125x80xi32, #tpu.memory_space<hbm>> -> memref<125x80xi32, #tpu.memory_space<hbm>>
      %dma_start3A_39 = arith.constant 0 : i32
      %dma_start3A_40 = arith.constant 0 : i32
      %dma_start3A_41 = tpu.memref_slice %arg2[%add3A, %dma_start3A_39, %dma_start3A_40] : memref<32x125x80xi32, #tpu.memory_space<hbm>> -> memref<1x125x80xi32, #tpu.memory_space<hbm>>
      %dma_start3A_42 = tpu.memref_squeeze %dma_start3A_41 : memref<1x125x80xi32, #tpu.memory_space<hbm>> -> memref<125x80xi32, #tpu.memory_space<hbm>>
      tpu.enqueue_dma source(%dma_start3A_42 : memref<125x80xi32, #tpu.memory_space<hbm>>) target(%arg4 : memref<125x80xi32, #tpu.memory_space<vmem>>) target_semaphore(%run_scoped3A_35 : memref<!tpu.dma_semaphore, #tpu.memory_space<semaphore_mem>>)
      %dma_wait3A = arith.constant 0 : i32
      %dma_wait3A_43 = arith.constant 0 : i32
      %dma_wait3A_44 = tpu.memref_slice %arg2[%add3A, %dma_wait3A, %dma_wait3A_43] : memref<32x125x80xi32, #tpu.memory_space<hbm>> -> memref<1x125x80xi32, #tpu.memory_space<hbm>>
      %dma_wait3A_45 = tpu.memref_squeeze %dma_wait3A_44 : memref<1x125x80xi32, #tpu.memory_space<hbm>> -> memref<125x80xi32, #tpu.memory_space<hbm>>
      %dma_wait3A_46 = arith.constant 0 : i32
      %dma_wait3A_47 = arith.constant 0 : i32
      %dma_wait3A_48 = tpu.memref_slice %arg2[%add3A, %dma_wait3A_46, %dma_wait3A_47] : memref<32x125x80xi32, #tpu.memory_space<hbm>> -> memref<1x125x80xi32, #tpu.memory_space<hbm>>
      %dma_wait3A_49 = tpu.memref_squeeze %dma_wait3A_48 : memref<1x125x80xi32, #tpu.memory_space<hbm>> -> memref<125x80xi32, #tpu.memory_space<hbm>>
      tpu.wait_dma2 semaphore(%run_scoped3A_35 : memref<!tpu.dma_semaphore, #tpu.memory_space<semaphore_mem>>) src(%dma_wait3A_49 : memref<125x80xi32, #tpu.memory_space<hbm>>) dst(%arg4 : memref<125x80xi32, #tpu.memory_space<vmem>>)
      tpu.yield
    }) : () -> ()
    %scan3A = arith.constant 0 : i32
    %scan3A_1 = arith.constant 0 : i32
    %scan3A_2 = arith.constant 5 : i32
    %scan3A_3 = arith.addi %scan3A_1, %scan3A_2 : i32
    %scan3A_4 = arith.constant 1 : i32
    scf.for %scan3A_35 = %scan3A_1 to %scan3A_3 step %scan3A_4  : i32 {
      %broadcast_in_dim3A = arith.constant 1.000000e+00 : f32
      %broadcast_in_dim3A_36 = vector.broadcast %broadcast_in_dim3A : f32 to vector<16xf32>
      %mul3A_37 = arith.constant 16 : i32
      %mul3A_38 = arith.muli %scan3A_35, %mul3A_37 : i32
      %multiple_of3A = tpu.assume_multiple %mul3A_38, 16 : i32
      %swap3A = arith.index_cast %multiple_of3A : i32 to index
      %swap3A_39 = tpu.vector_load %arg5[%swap3A] {strides = array<i32>} : memref<80xf32, #tpu.memory_space<vmem>>, vector<16xf32>,
      %swap3A_40 = vector.shape_cast %swap3A_39 : vector<16xf32> to vector<16xf32>
      %swap3A_41 = vector.shape_cast %broadcast_in_dim3A_36 : vector<16xf32> to vector<16xf32>
      tpu.vector_store %arg5[%swap3A], %swap3A_41 {strides = array<i32>} : memref<80xf32, #tpu.memory_space<vmem>>, vector<16xf32>,
    }
    %scan3A_5 = arith.constant 5 : i32
    %scan3A_6 = arith.constant 0 : i32
    %scan3A_7 = arith.constant 0 : i32
    %scan3A_8 = arith.constant 40 : i32
    %scan3A_9 = arith.addi %scan3A_7, %scan3A_8 : i32
    %scan3A_10 = arith.constant 1 : i32
    scf.for %scan3A_35 = %scan3A_7 to %scan3A_9 step %scan3A_10  : i32 {
      %broadcast_in_dim3A = arith.constant 0.000000e+00 : f32
      %broadcast_in_dim3A_36 = vector.broadcast %broadcast_in_dim3A : f32 to vector<16xf32>
      %mul3A_37 = arith.constant 16 : i32
      %mul3A_38 = arith.muli %scan3A_35, %mul3A_37 : i32
      %multiple_of3A = tpu.assume_multiple %mul3A_38, 16 : i32
      %swap3A = arith.index_cast %multiple_of3A : i32 to index
      %swap3A_39 = tpu.vector_load %arg6[%swap3A] {strides = array<i32>} : memref<640xf32, #tpu.memory_space<vmem>>, vector<16xf32>,
      %swap3A_40 = vector.shape_cast %swap3A_39 : vector<16xf32> to vector<16xf32>
      %swap3A_41 = vector.shape_cast %broadcast_in_dim3A_36 : vector<16xf32> to vector<16xf32>
      tpu.vector_store %arg6[%swap3A], %swap3A_41 {strides = array<i32>} : memref<640xf32, #tpu.memory_space<vmem>>, vector<16xf32>,
    }
    %scan3A_11 = arith.constant 40 : i32
    %lt3A = arith.constant 15 : i32
    %lt3A_12 = arith.cmpi slt, %arg1, %lt3A : i32
    %convert_element_type3A = arith.extui %lt3A_12 : i1 to i32
    %cond3A = arith.constant 0 : i32
    %cond3A_13 = arith.cmpi ne, %convert_element_type3A, %cond3A : i32
    scf.if %cond3A_13 {
      %mul3A_35 = arith.constant 624 : i32
      %mul3A_36 = arith.muli %arg1, %mul3A_35 : i32
      %multiple_of3A = tpu.assume_multiple %mul3A_36, 8 : i32
      "tpu.region"() ({
        %run_scoped3A_37 = tpu.sem_alloc : memref<!tpu.dma_semaphore, #tpu.memory_space<semaphore_mem>>
        %dma_start3A = arith.constant 0 : i32
        %dma_start3A_38 = tpu.memref_slice %arg6[%dma_start3A] : memref<640xf32, #tpu.memory_space<vmem>> -> memref<624xf32, #tpu.memory_space<vmem>>
        %dma_start3A_39 = tpu.memref_slice %arg7[%multiple_of3A] : memref<10000xf32, #tpu.memory_space<vmem_shared>> -> memref<624xf32, #tpu.memory_space<vmem_shared>>
        %dma_start3A_40 = tpu.memref_slice %arg7[%multiple_of3A] : memref<10000xf32, #tpu.memory_space<vmem_shared>> -> memref<624xf32, #tpu.memory_space<vmem_shared>>
        %dma_start3A_41 = arith.constant 0 : i32
        %dma_start3A_42 = tpu.memref_slice %arg6[%dma_start3A_41] : memref<640xf32, #tpu.memory_space<vmem>> -> memref<624xf32, #tpu.memory_space<vmem>>
        tpu.enqueue_dma source(%dma_start3A_42 : memref<624xf32, #tpu.memory_space<vmem>>) target(%dma_start3A_40 : memref<624xf32, #tpu.memory_space<vmem_shared>>) target_semaphore(%run_scoped3A_37 : memref<!tpu.dma_semaphore, #tpu.memory_space<semaphore_mem>>)
        %dma_wait3A = arith.constant 0 : i32
        %dma_wait3A_43 = tpu.memref_slice %arg6[%dma_wait3A] : memref<640xf32, #tpu.memory_space<vmem>> -> memref<624xf32, #tpu.memory_space<vmem>>
        %dma_wait3A_44 = tpu.memref_slice %arg7[%multiple_of3A] : memref<10000xf32, #tpu.memory_space<vmem_shared>> -> memref<624xf32, #tpu.memory_space<vmem_shared>>
        %dma_wait3A_45 = tpu.memref_slice %arg7[%multiple_of3A] : memref<10000xf32, #tpu.memory_space<vmem_shared>> -> memref<624xf32, #tpu.memory_space<vmem_shared>>
        %dma_wait3A_46 = arith.constant 0 : i32
        %dma_wait3A_47 = tpu.memref_slice %arg6[%dma_wait3A_46] : memref<640xf32, #tpu.memory_space<vmem>> -> memref<624xf32, #tpu.memory_space<vmem>>
        tpu.wait_dma2 semaphore(%run_scoped3A_37 : memref<!tpu.dma_semaphore, #tpu.memory_space<semaphore_mem>>) src(%dma_wait3A_47 : memref<624xf32, #tpu.memory_space<vmem>>) dst(%dma_wait3A_45 : memref<624xf32, #tpu.memory_space<vmem_shared>>)
        tpu.yield
      }) : () -> ()
    } else {
    }
    %eq3A = arith.constant 15 : i32
    %eq3A_14 = arith.cmpi eq, %arg1, %eq3A : i32
    %convert_element_type3A_15 = arith.extui %eq3A_14 : i1 to i32
    %cond3A_16 = arith.constant 0 : i32
    %cond3A_17 = arith.cmpi ne, %convert_element_type3A_15, %cond3A_16 : i32
    scf.if %cond3A_17 {
      "tpu.region"() ({
        %run_scoped3A_35 = tpu.sem_alloc : memref<!tpu.dma_semaphore, #tpu.memory_space<semaphore_mem>>
        %dma_start3A = arith.constant 9360 : i32
        %dma_start3A_36 = tpu.memref_slice %arg7[%dma_start3A] : memref<10000xf32, #tpu.memory_space<vmem_shared>> -> memref<640xf32, #tpu.memory_space<vmem_shared>>
        %dma_start3A_37 = arith.constant 9360 : i32
        %dma_start3A_38 = tpu.memref_slice %arg7[%dma_start3A_37] : memref<10000xf32, #tpu.memory_space<vmem_shared>> -> memref<640xf32, #tpu.memory_space<vmem_shared>>
        tpu.enqueue_dma source(%arg6 : memref<640xf32, #tpu.memory_space<vmem>>) target(%dma_start3A_38 : memref<640xf32, #tpu.memory_space<vmem_shared>>) target_semaphore(%run_scoped3A_35 : memref<!tpu.dma_semaphore, #tpu.memory_space<semaphore_mem>>)
        %dma_wait3A = arith.constant 9360 : i32
        %dma_wait3A_39 = tpu.memref_slice %arg7[%dma_wait3A] : memref<10000xf32, #tpu.memory_space<vmem_shared>> -> memref<640xf32, #tpu.memory_space<vmem_shared>>
        %dma_wait3A_40 = arith.constant 9360 : i32
        %dma_wait3A_41 = tpu.memref_slice %arg7[%dma_wait3A_40] : memref<10000xf32, #tpu.memory_space<vmem_shared>> -> memref<640xf32, #tpu.memory_space<vmem_shared>>
        tpu.wait_dma2 semaphore(%run_scoped3A_35 : memref<!tpu.dma_semaphore, #tpu.memory_space<semaphore_mem>>) src(%arg6 : memref<640xf32, #tpu.memory_space<vmem>>) dst(%dma_wait3A_41 : memref<640xf32, #tpu.memory_space<vmem_shared>>)
        tpu.yield
      }) : () -> ()
    } else {
    }
    %barrier3A = arith.constant 0 : index
    tpu.barrier barrier_id(%barrier3A)
    %scan3A_18 = arith.constant 0 : i32
    %scan3A_19 = arith.constant 0 : i32
    %scan3A_20 = arith.constant 62 : i32
    %scan3A_21 = arith.addi %scan3A_19, %scan3A_20 : i32
    %scan3A_22 = arith.constant 1 : i32
    scf.for %scan3A_35 = %scan3A_19 to %scan3A_21 step %scan3A_22  : i32 {
      %mul3A_36 = arith.constant 2 : i32
      %mul3A_37 = arith.muli %mul3A_36, %scan3A_35 : i32
      %dma_start3A = arith.constant 0 : i32
      %dma_start3A_38 = tpu.memref_slice %arg4[%mul3A_37, %dma_start3A] : memref<125x80xi32, #tpu.memory_space<vmem>> -> memref<1x80xi32, #tpu.memory_space<vmem>>
      %dma_start3A_39 = tpu.memref_squeeze %dma_start3A_38 : memref<1x80xi32, #tpu.memory_space<vmem>> -> memref<80xi32, #tpu.memory_space<vmem>>
      %dma_start3A_40 = arith.constant 0 : i32
      %dma_start3A_41 = tpu.memref_slice %arg7[%dma_start3A_40] : memref<10000xf32, #tpu.memory_space<vmem_shared>> -> memref<10000xf32, #tpu.memory_space<vmem_shared>>
      tpu.enqueue_indirect_dma source(%arg5 : memref<80xf32, #tpu.memory_space<vmem>>) target(%dma_start3A_41 : memref<10000xf32, #tpu.memory_space<vmem_shared>>) offsets(%dma_start3A_39 : memref<80xi32, #tpu.memory_space<vmem>>) semaphore(%arg8 : memref<!tpu.dma_semaphore, #tpu.memory_space<semaphore_mem>>) {add = true}
      %mul3A_42 = arith.constant 2 : i32
      %mul3A_43 = arith.muli %mul3A_42, %scan3A_35 : i32
      %add3A_44 = arith.constant 1 : i32
      %add3A_45 = arith.addi %mul3A_43, %add3A_44 : i32
      %dma_start3A_46 = arith.constant 0 : i32
      %dma_start3A_47 = tpu.memref_slice %arg4[%add3A_45, %dma_start3A_46] : memref<125x80xi32, #tpu.memory_space<vmem>> -> memref<1x80xi32, #tpu.memory_space<vmem>>
      %dma_start3A_48 = tpu.memref_squeeze %dma_start3A_47 : memref<1x80xi32, #tpu.memory_space<vmem>> -> memref<80xi32, #tpu.memory_space<vmem>>
      %dma_start3A_49 = arith.constant 0 : i32
      %dma_start3A_50 = tpu.memref_slice %arg7[%dma_start3A_49] : memref<10000xf32, #tpu.memory_space<vmem_shared>> -> memref<10000xf32, #tpu.memory_space<vmem_shared>>
      tpu.enqueue_indirect_dma source(%arg5 : memref<80xf32, #tpu.memory_space<vmem>>) target(%dma_start3A_50 : memref<10000xf32, #tpu.memory_space<vmem_shared>>) offsets(%dma_start3A_48 : memref<80xi32, #tpu.memory_space<vmem>>) semaphore(%arg9 : memref<!tpu.dma_semaphore, #tpu.memory_space<semaphore_mem>>) {add = true}
      %dma_wait3A = arith.constant 0 : i32
      %dma_wait3A_51 = tpu.memref_slice %arg4[%mul3A_37, %dma_wait3A] : memref<125x80xi32, #tpu.memory_space<vmem>> -> memref<1x80xi32, #tpu.memory_space<vmem>>
      %dma_wait3A_52 = tpu.memref_squeeze %dma_wait3A_51 : memref<1x80xi32, #tpu.memory_space<vmem>> -> memref<80xi32, #tpu.memory_space<vmem>>
      %dma_wait3A_53 = arith.constant 0 : i32
      %dma_wait3A_54 = tpu.memref_slice %arg7[%dma_wait3A_53] : memref<10000xf32, #tpu.memory_space<vmem_shared>> -> memref<10000xf32, #tpu.memory_space<vmem_shared>>
      tpu.wait_indirect_dma semaphore(%arg8 : memref<!tpu.dma_semaphore, #tpu.memory_space<semaphore_mem>>) src(%arg5 : memref<80xf32, #tpu.memory_space<vmem>>) dst(%dma_wait3A_54 : memref<10000xf32, #tpu.memory_space<vmem_shared>>)
      %dma_wait3A_55 = arith.constant 0 : i32
      %dma_wait3A_56 = tpu.memref_slice %arg4[%add3A_45, %dma_wait3A_55] : memref<125x80xi32, #tpu.memory_space<vmem>> -> memref<1x80xi32, #tpu.memory_space<vmem>>
      %dma_wait3A_57 = tpu.memref_squeeze %dma_wait3A_56 : memref<1x80xi32, #tpu.memory_space<vmem>> -> memref<80xi32, #tpu.memory_space<vmem>>
      %dma_wait3A_58 = arith.constant 0 : i32
      %dma_wait3A_59 = tpu.memref_slice %arg7[%dma_wait3A_58] : memref<10000xf32, #tpu.memory_space<vmem_shared>> -> memref<10000xf32, #tpu.memory_space<vmem_shared>>
      tpu.wait_indirect_dma semaphore(%arg9 : memref<!tpu.dma_semaphore, #tpu.memory_space<semaphore_mem>>) src(%arg5 : memref<80xf32, #tpu.memory_space<vmem>>) dst(%dma_wait3A_59 : memref<10000xf32, #tpu.memory_space<vmem_shared>>)
    }
    %scan3A_23 = arith.constant 62 : i32
    %run_scoped3A = arith.constant 124 : i32
    "tpu.region"() ({
      %run_scoped3A_35 = tpu.sem_alloc : memref<!tpu.dma_semaphore, #tpu.memory_space<semaphore_mem>>
      %dma_start3A = arith.constant 0 : i32
      %dma_start3A_36 = tpu.memref_slice %arg4[%run_scoped3A, %dma_start3A] : memref<125x80xi32, #tpu.memory_space<vmem>> -> memref<1x80xi32, #tpu.memory_space<vmem>>
      %dma_start3A_37 = tpu.memref_squeeze %dma_start3A_36 : memref<1x80xi32, #tpu.memory_space<vmem>> -> memref<80xi32, #tpu.memory_space<vmem>>
      %dma_start3A_38 = arith.constant 0 : i32
      %dma_start3A_39 = tpu.memref_slice %arg7[%dma_start3A_38] : memref<10000xf32, #tpu.memory_space<vmem_shared>> -> memref<10000xf32, #tpu.memory_space<vmem_shared>>
      tpu.enqueue_indirect_dma source(%arg5 : memref<80xf32, #tpu.memory_space<vmem>>) target(%dma_start3A_39 : memref<10000xf32, #tpu.memory_space<vmem_shared>>) offsets(%dma_start3A_37 : memref<80xi32, #tpu.memory_space<vmem>>) semaphore(%run_scoped3A_35 : memref<!tpu.dma_semaphore, #tpu.memory_space<semaphore_mem>>) {add = true}
      %dma_wait3A = arith.constant 0 : i32
      %dma_wait3A_40 = tpu.memref_slice %arg4[%run_scoped3A, %dma_wait3A] : memref<125x80xi32, #tpu.memory_space<vmem>> -> memref<1x80xi32, #tpu.memory_space<vmem>>
      %dma_wait3A_41 = tpu.memref_squeeze %dma_wait3A_40 : memref<1x80xi32, #tpu.memory_space<vmem>> -> memref<80xi32, #tpu.memory_space<vmem>>
      %dma_wait3A_42 = arith.constant 0 : i32
      %dma_wait3A_43 = tpu.memref_slice %arg7[%dma_wait3A_42] : memref<10000xf32, #tpu.memory_space<vmem_shared>> -> memref<10000xf32, #tpu.memory_space<vmem_shared>>
      tpu.wait_indirect_dma semaphore(%run_scoped3A_35 : memref<!tpu.dma_semaphore, #tpu.memory_space<semaphore_mem>>) src(%arg5 : memref<80xf32, #tpu.memory_space<vmem>>) dst(%dma_wait3A_43 : memref<10000xf32, #tpu.memory_space<vmem_shared>>)
      tpu.yield
    }) : () -> ()
    %barrier3A_24 = arith.constant 0 : index
    tpu.barrier barrier_id(%barrier3A_24)
    %lt3A_25 = arith.constant 15 : i32
    %lt3A_26 = arith.cmpi slt, %arg1, %lt3A_25 : i32
    %convert_element_type3A_27 = arith.extui %lt3A_26 : i1 to i32
    %cond3A_28 = arith.constant 0 : i32
    %cond3A_29 = arith.cmpi ne, %convert_element_type3A_27, %cond3A_28 : i32
    scf.if %cond3A_29 {
      %mul3A_35 = arith.constant 624 : i32
      %mul3A_36 = arith.muli %arg1, %mul3A_35 : i32
      %multiple_of3A = tpu.assume_multiple %mul3A_36, 8 : i32
      %mul3A_37 = arith.constant 10000 : i32
      %mul3A_38 = arith.muli %arg0, %mul3A_37 : i32
      %mul3A_39 = arith.constant 624 : i32
      %mul3A_40 = arith.muli %arg1, %mul3A_39 : i32
      %add3A_41 = arith.addi %mul3A_38, %mul3A_40 : i32
      %multiple_of3A_42 = tpu.assume_multiple %add3A_41, 8 : i32
      "tpu.region"() ({
        %run_scoped3A_43 = tpu.sem_alloc : memref<!tpu.dma_semaphore, #tpu.memory_space<semaphore_mem>>
        %dma_start3A = arith.constant 0 : i32
        %dma_start3A_44 = tpu.memref_slice %arg6[%dma_start3A] : memref<640xf32, #tpu.memory_space<vmem>> -> memref<624xf32, #tpu.memory_space<vmem>>
        %dma_start3A_45 = tpu.memref_slice %arg7[%multiple_of3A] : memref<10000xf32, #tpu.memory_space<vmem_shared>> -> memref<624xf32, #tpu.memory_space<vmem_shared>>
        %dma_start3A_46 = arith.constant 0 : i32
        %dma_start3A_47 = tpu.memref_slice %arg6[%dma_start3A_46] : memref<640xf32, #tpu.memory_space<vmem>> -> memref<624xf32, #tpu.memory_space<vmem>>
        %dma_start3A_48 = tpu.memref_slice %arg7[%multiple_of3A] : memref<10000xf32, #tpu.memory_space<vmem_shared>> -> memref<624xf32, #tpu.memory_space<vmem_shared>>
        tpu.enqueue_dma source(%dma_start3A_48 : memref<624xf32, #tpu.memory_space<vmem_shared>>) target(%dma_start3A_47 : memref<624xf32, #tpu.memory_space<vmem>>) target_semaphore(%run_scoped3A_43 : memref<!tpu.dma_semaphore, #tpu.memory_space<semaphore_mem>>)
        %dma_wait3A = arith.constant 0 : i32
        %dma_wait3A_49 = tpu.memref_slice %arg6[%dma_wait3A] : memref<640xf32, #tpu.memory_space<vmem>> -> memref<624xf32, #tpu.memory_space<vmem>>
        %dma_wait3A_50 = tpu.memref_slice %arg7[%multiple_of3A] : memref<10000xf32, #tpu.memory_space<vmem_shared>> -> memref<624xf32, #tpu.memory_space<vmem_shared>>
        %dma_wait3A_51 = arith.constant 0 : i32
        %dma_wait3A_52 = tpu.memref_slice %arg6[%dma_wait3A_51] : memref<640xf32, #tpu.memory_space<vmem>> -> memref<624xf32, #tpu.memory_space<vmem>>
        %dma_wait3A_53 = tpu.memref_slice %arg7[%multiple_of3A] : memref<10000xf32, #tpu.memory_space<vmem_shared>> -> memref<624xf32, #tpu.memory_space<vmem_shared>>
        tpu.wait_dma2 semaphore(%run_scoped3A_43 : memref<!tpu.dma_semaphore, #tpu.memory_space<semaphore_mem>>) src(%dma_wait3A_53 : memref<624xf32, #tpu.memory_space<vmem_shared>>) dst(%dma_wait3A_52 : memref<624xf32, #tpu.memory_space<vmem>>)
        tpu.yield
      }) : () -> ()
      "tpu.region"() ({
        %run_scoped3A_43 = tpu.sem_alloc : memref<!tpu.dma_semaphore, #tpu.memory_space<semaphore_mem>>
        %dma_start3A = arith.constant 0 : i32
        %dma_start3A_44 = tpu.memref_slice %arg6[%dma_start3A] : memref<640xf32, #tpu.memory_space<vmem>> -> memref<624xf32, #tpu.memory_space<vmem>>
        %dma_start3A_45 = tpu.memref_slice %arg3[%multiple_of3A_42] : memref<20000xf32, #tpu.memory_space<hbm>> -> memref<624xf32, #tpu.memory_space<hbm>>
        %dma_start3A_46 = tpu.memref_slice %arg3[%multiple_of3A_42] : memref<20000xf32, #tpu.memory_space<hbm>> -> memref<624xf32, #tpu.memory_space<hbm>>
        %dma_start3A_47 = arith.constant 0 : i32
        %dma_start3A_48 = tpu.memref_slice %arg6[%dma_start3A_47] : memref<640xf32, #tpu.memory_space<vmem>> -> memref<624xf32, #tpu.memory_space<vmem>>
        tpu.enqueue_dma source(%dma_start3A_48 : memref<624xf32, #tpu.memory_space<vmem>>) target(%dma_start3A_46 : memref<624xf32, #tpu.memory_space<hbm>>) target_semaphore(%run_scoped3A_43 : memref<!tpu.dma_semaphore, #tpu.memory_space<semaphore_mem>>)
        %dma_wait3A = arith.constant 0 : i32
        %dma_wait3A_49 = tpu.memref_slice %arg6[%dma_wait3A] : memref<640xf32, #tpu.memory_space<vmem>> -> memref<624xf32, #tpu.memory_space<vmem>>
        %dma_wait3A_50 = tpu.memref_slice %arg3[%multiple_of3A_42] : memref<20000xf32, #tpu.memory_space<hbm>> -> memref<624xf32, #tpu.memory_space<hbm>>
        %dma_wait3A_51 = tpu.memref_slice %arg3[%multiple_of3A_42] : memref<20000xf32, #tpu.memory_space<hbm>> -> memref<624xf32, #tpu.memory_space<hbm>>
        %dma_wait3A_52 = arith.constant 0 : i32
        %dma_wait3A_53 = tpu.memref_slice %arg6[%dma_wait3A_52] : memref<640xf32, #tpu.memory_space<vmem>> -> memref<624xf32, #tpu.memory_space<vmem>>
        tpu.wait_dma2 semaphore(%run_scoped3A_43 : memref<!tpu.dma_semaphore, #tpu.memory_space<semaphore_mem>>) src(%dma_wait3A_53 : memref<624xf32, #tpu.memory_space<vmem>>) dst(%dma_wait3A_51 : memref<624xf32, #tpu.memory_space<hbm>>)
        tpu.yield
      }) : () -> ()
    } else {
    }
    %eq3A_30 = arith.constant 15 : i32
    %eq3A_31 = arith.cmpi eq, %arg1, %eq3A_30 : i32
    %convert_element_type3A_32 = arith.extui %eq3A_31 : i1 to i32
    %cond3A_33 = arith.constant 0 : i32
    %cond3A_34 = arith.cmpi ne, %convert_element_type3A_32, %cond3A_33 : i32
    scf.if %cond3A_34 {
      %mul3A_35 = arith.constant 10000 : i32
      %mul3A_36 = arith.muli %arg0, %mul3A_35 : i32
      %add3A_37 = arith.constant 9360 : i32
      %add3A_38 = arith.addi %mul3A_36, %add3A_37 : i32
      %multiple_of3A = tpu.assume_multiple %add3A_38, 8 : i32
      "tpu.region"() ({
        %run_scoped3A_39 = tpu.sem_alloc : memref<!tpu.dma_semaphore, #tpu.memory_space<semaphore_mem>>
        %dma_start3A = arith.constant 9360 : i32
        %dma_start3A_40 = tpu.memref_slice %arg7[%dma_start3A] : memref<10000xf32, #tpu.memory_space<vmem_shared>> -> memref<640xf32, #tpu.memory_space<vmem_shared>>
        %dma_start3A_41 = arith.constant 9360 : i32
        %dma_start3A_42 = tpu.memref_slice %arg7[%dma_start3A_41] : memref<10000xf32, #tpu.memory_space<vmem_shared>> -> memref<640xf32, #tpu.memory_space<vmem_shared>>
        tpu.enqueue_dma source(%dma_start3A_42 : memref<640xf32, #tpu.memory_space<vmem_shared>>) target(%arg6 : memref<640xf32, #tpu.memory_space<vmem>>) target_semaphore(%run_scoped3A_39 : memref<!tpu.dma_semaphore, #tpu.memory_space<semaphore_mem>>)
        %dma_wait3A = arith.constant 9360 : i32
        %dma_wait3A_43 = tpu.memref_slice %arg7[%dma_wait3A] : memref<10000xf32, #tpu.memory_space<vmem_shared>> -> memref<640xf32, #tpu.memory_space<vmem_shared>>
        %dma_wait3A_44 = arith.constant 9360 : i32
        %dma_wait3A_45 = tpu.memref_slice %arg7[%dma_wait3A_44] : memref<10000xf32, #tpu.memory_space<vmem_shared>> -> memref<640xf32, #tpu.memory_space<vmem_shared>>
        tpu.wait_dma2 semaphore(%run_scoped3A_39 : memref<!tpu.dma_semaphore, #tpu.memory_space<semaphore_mem>>) src(%dma_wait3A_45 : memref<640xf32, #tpu.memory_space<vmem_shared>>) dst(%arg6 : memref<640xf32, #tpu.memory_space<vmem>>)
        tpu.yield
      }) : () -> ()
      "tpu.region"() ({
        %run_scoped3A_39 = tpu.sem_alloc : memref<!tpu.dma_semaphore, #tpu.memory_space<semaphore_mem>>
        %dma_start3A = tpu.memref_slice %arg3[%multiple_of3A] : memref<20000xf32, #tpu.memory_space<hbm>> -> memref<640xf32, #tpu.memory_space<hbm>>
        %dma_start3A_40 = tpu.memref_slice %arg3[%multiple_of3A] : memref<20000xf32, #tpu.memory_space<hbm>> -> memref<640xf32, #tpu.memory_space<hbm>>
        tpu.enqueue_dma source(%arg6 : memref<640xf32, #tpu.memory_space<vmem>>) target(%dma_start3A_40 : memref<640xf32, #tpu.memory_space<hbm>>) target_semaphore(%run_scoped3A_39 : memref<!tpu.dma_semaphore, #tpu.memory_space<semaphore_mem>>)
        %dma_wait3A = tpu.memref_slice %arg3[%multiple_of3A] : memref<20000xf32, #tpu.memory_space<hbm>> -> memref<640xf32, #tpu.memory_space<hbm>>
        %dma_wait3A_41 = tpu.memref_slice %arg3[%multiple_of3A] : memref<20000xf32, #tpu.memory_space<hbm>> -> memref<640xf32, #tpu.memory_space<hbm>>
        tpu.wait_dma2 semaphore(%run_scoped3A_39 : memref<!tpu.dma_semaphore, #tpu.memory_space<semaphore_mem>>) src(%arg6 : memref<640xf32, #tpu.memory_space<vmem>>) dst(%dma_wait3A_41 : memref<640xf32, #tpu.memory_space<hbm>>)
        tpu.yield
      }) : () -> ()
    } else {
    }
    return
  }
}

#map = affine_map<(d0, d1) -> (0, 0, 0)>
module attributes {stable_mosaic.version = 14 : i64} {
  func.func @_agg_phase(%arg0: i32, %arg1: i32, %arg2: memref<2x10000x64xf32, #tpu.memory_space<hbm>>, %arg3: memref<16x160x125xi32, #tpu.memory_space<hbm>>, %arg4: memref<16x160x125xi32, #tpu.memory_space<hbm>>, %arg5: memref<2x10000x64xf32, #tpu.memory_space<hbm>>, %arg6: memref<160x125xi32, #tpu.memory_space<vmem>>, %arg7: memref<160x125xi32, #tpu.memory_space<vmem>>, %arg8: memref<125x64xf32, #tpu.memory_space<vmem>>, %arg9: memref<125x64xf32, #tpu.memory_space<vmem>>, %arg10: memref<125x64xf32, #tpu.memory_space<vmem>>, %arg11: memref<125x64xf32, #tpu.memory_space<vmem>>, %arg12: memref<208x64xf32, #tpu.memory_space<vmem>>, %arg13: memref<10000x64xf32, #tpu.memory_space<vmem_shared>>, %arg14: memref<!tpu.dma_semaphore, #tpu.memory_space<semaphore_mem>>, %arg15: memref<!tpu.dma_semaphore, #tpu.memory_space<semaphore_mem>>, %arg16: memref<!tpu.dma_semaphore, #tpu.memory_space<semaphore_mem>>, %arg17: memref<!tpu.dma_semaphore, #tpu.memory_space<semaphore_mem>>, %arg18: memref<!tpu.dma_semaphore, #tpu.memory_space<semaphore_mem>>, %arg19: memref<!tpu.dma_semaphore, #tpu.memory_space<semaphore_mem>>, %arg20: memref<!tpu.dma_semaphore, #tpu.memory_space<semaphore_mem>>, %arg21: memref<!tpu.dma_semaphore, #tpu.memory_space<semaphore_mem>>) attributes {dimension_semantics = [#tpu.dimension_semantics<core_parallel>, #tpu.dimension_semantics<subcore_parallel>], iteration_bounds = array<i64: 2, 16>, scalar_prefetch = 0 : i64, scratch_operands = 16 : i64, tpu.core_type = #tpu.core_type<sc_vector_subcore>, window_params = [{transform_indices = #map}, {transform_indices = #map}, {transform_indices = #map}, {transform_indices = #map}]} {
    "tpu.region"() ({
      %run_scoped3A = tpu.sem_alloc : memref<!tpu.dma_semaphore, #tpu.memory_space<semaphore_mem>>
      %dma_start3A_138 = arith.constant 0 : i32
      %dma_start3A_139 = arith.constant 0 : i32
      %dma_start3A_140 = tpu.memref_slice %arg3[%arg1, %dma_start3A_138, %dma_start3A_139] : memref<16x160x125xi32, #tpu.memory_space<hbm>> -> memref<1x160x125xi32, #tpu.memory_space<hbm>>
      %dma_start3A_141 = tpu.memref_squeeze %dma_start3A_140 : memref<1x160x125xi32, #tpu.memory_space<hbm>> -> memref<160x125xi32, #tpu.memory_space<hbm>>
      %dma_start3A_142 = arith.constant 0 : i32
      %dma_start3A_143 = arith.constant 0 : i32
      %dma_start3A_144 = tpu.memref_slice %arg3[%arg1, %dma_start3A_142, %dma_start3A_143] : memref<16x160x125xi32, #tpu.memory_space<hbm>> -> memref<1x160x125xi32, #tpu.memory_space<hbm>>
      %dma_start3A_145 = tpu.memref_squeeze %dma_start3A_144 : memref<1x160x125xi32, #tpu.memory_space<hbm>> -> memref<160x125xi32, #tpu.memory_space<hbm>>
      tpu.enqueue_dma source(%dma_start3A_145 : memref<160x125xi32, #tpu.memory_space<hbm>>) target(%arg6 : memref<160x125xi32, #tpu.memory_space<vmem>>) target_semaphore(%run_scoped3A : memref<!tpu.dma_semaphore, #tpu.memory_space<semaphore_mem>>)
      %dma_wait3A_146 = arith.constant 0 : i32
      %dma_wait3A_147 = arith.constant 0 : i32
      %dma_wait3A_148 = tpu.memref_slice %arg3[%arg1, %dma_wait3A_146, %dma_wait3A_147] : memref<16x160x125xi32, #tpu.memory_space<hbm>> -> memref<1x160x125xi32, #tpu.memory_space<hbm>>
      %dma_wait3A_149 = tpu.memref_squeeze %dma_wait3A_148 : memref<1x160x125xi32, #tpu.memory_space<hbm>> -> memref<160x125xi32, #tpu.memory_space<hbm>>
      %dma_wait3A_150 = arith.constant 0 : i32
      %dma_wait3A_151 = arith.constant 0 : i32
      %dma_wait3A_152 = tpu.memref_slice %arg3[%arg1, %dma_wait3A_150, %dma_wait3A_151] : memref<16x160x125xi32, #tpu.memory_space<hbm>> -> memref<1x160x125xi32, #tpu.memory_space<hbm>>
      %dma_wait3A_153 = tpu.memref_squeeze %dma_wait3A_152 : memref<1x160x125xi32, #tpu.memory_space<hbm>> -> memref<160x125xi32, #tpu.memory_space<hbm>>
      tpu.wait_dma2 semaphore(%run_scoped3A : memref<!tpu.dma_semaphore, #tpu.memory_space<semaphore_mem>>) src(%dma_wait3A_153 : memref<160x125xi32, #tpu.memory_space<hbm>>) dst(%arg6 : memref<160x125xi32, #tpu.memory_space<vmem>>)
      tpu.yield
    }) : () -> ()
    "tpu.region"() ({
      %run_scoped3A = tpu.sem_alloc : memref<!tpu.dma_semaphore, #tpu.memory_space<semaphore_mem>>
      %dma_start3A_138 = arith.constant 0 : i32
      %dma_start3A_139 = arith.constant 0 : i32
      %dma_start3A_140 = tpu.memref_slice %arg4[%arg1, %dma_start3A_138, %dma_start3A_139] : memref<16x160x125xi32, #tpu.memory_space<hbm>> -> memref<1x160x125xi32, #tpu.memory_space<hbm>>
      %dma_start3A_141 = tpu.memref_squeeze %dma_start3A_140 : memref<1x160x125xi32, #tpu.memory_space<hbm>> -> memref<160x125xi32, #tpu.memory_space<hbm>>
      %dma_start3A_142 = arith.constant 0 : i32
      %dma_start3A_143 = arith.constant 0 : i32
      %dma_start3A_144 = tpu.memref_slice %arg4[%arg1, %dma_start3A_142, %dma_start3A_143] : memref<16x160x125xi32, #tpu.memory_space<hbm>> -> memref<1x160x125xi32, #tpu.memory_space<hbm>>
      %dma_start3A_145 = tpu.memref_squeeze %dma_start3A_144 : memref<1x160x125xi32, #tpu.memory_space<hbm>> -> memref<160x125xi32, #tpu.memory_space<hbm>>
      tpu.enqueue_dma source(%dma_start3A_145 : memref<160x125xi32, #tpu.memory_space<hbm>>) target(%arg7 : memref<160x125xi32, #tpu.memory_space<vmem>>) target_semaphore(%run_scoped3A : memref<!tpu.dma_semaphore, #tpu.memory_space<semaphore_mem>>)
      %dma_wait3A_146 = arith.constant 0 : i32
      %dma_wait3A_147 = arith.constant 0 : i32
      %dma_wait3A_148 = tpu.memref_slice %arg4[%arg1, %dma_wait3A_146, %dma_wait3A_147] : memref<16x160x125xi32, #tpu.memory_space<hbm>> -> memref<1x160x125xi32, #tpu.memory_space<hbm>>
      %dma_wait3A_149 = tpu.memref_squeeze %dma_wait3A_148 : memref<1x160x125xi32, #tpu.memory_space<hbm>> -> memref<160x125xi32, #tpu.memory_space<hbm>>
      %dma_wait3A_150 = arith.constant 0 : i32
      %dma_wait3A_151 = arith.constant 0 : i32
      %dma_wait3A_152 = tpu.memref_slice %arg4[%arg1, %dma_wait3A_150, %dma_wait3A_151] : memref<16x160x125xi32, #tpu.memory_space<hbm>> -> memref<1x160x125xi32, #tpu.memory_space<hbm>>
      %dma_wait3A_153 = tpu.memref_squeeze %dma_wait3A_152 : memref<1x160x125xi32, #tpu.memory_space<hbm>> -> memref<160x125xi32, #tpu.memory_space<hbm>>
      tpu.wait_dma2 semaphore(%run_scoped3A : memref<!tpu.dma_semaphore, #tpu.memory_space<semaphore_mem>>) src(%dma_wait3A_153 : memref<160x125xi32, #tpu.memory_space<hbm>>) dst(%arg7 : memref<160x125xi32, #tpu.memory_space<vmem>>)
      tpu.yield
    }) : () -> ()
    %dma_start3A = arith.constant 0 : i32
    %dma_start3A_0 = arith.constant 0 : i32
    %dma_start3A_1 = tpu.memref_slice %arg6[%dma_start3A, %dma_start3A_0] : memref<160x125xi32, #tpu.memory_space<vmem>> -> memref<1x125xi32, #tpu.memory_space<vmem>>
    %dma_start3A_2 = tpu.memref_squeeze %dma_start3A_1 : memref<1x125xi32, #tpu.memory_space<vmem>> -> memref<125xi32, #tpu.memory_space<vmem>>
    %dma_start3A_3 = arith.constant 0 : i32
    %dma_start3A_4 = arith.constant 0 : i32
    %dma_start3A_5 = tpu.memref_slice %arg2[%arg0, %dma_start3A_3, %dma_start3A_4] : memref<2x10000x64xf32, #tpu.memory_space<hbm>> -> memref<1x10000x64xf32, #tpu.memory_space<hbm>>
    %dma_start3A_6 = tpu.memref_squeeze %dma_start3A_5 : memref<1x10000x64xf32, #tpu.memory_space<hbm>> -> memref<10000x64xf32, #tpu.memory_space<hbm>>
    %dma_start3A_7 = arith.constant 0 : i32
    %dma_start3A_8 = arith.constant 0 : i32
    %dma_start3A_9 = tpu.memref_slice %dma_start3A_6[%dma_start3A_7, %dma_start3A_8] : memref<10000x64xf32, #tpu.memory_space<hbm>> -> memref<10000x64xf32, #tpu.memory_space<hbm>>
    tpu.enqueue_indirect_dma source(%dma_start3A_9 : memref<10000x64xf32, #tpu.memory_space<hbm>>) target(%arg8 : memref<125x64xf32, #tpu.memory_space<vmem>>) offsets(%dma_start3A_2 : memref<125xi32, #tpu.memory_space<vmem>>) semaphore(%arg14 : memref<!tpu.dma_semaphore, #tpu.memory_space<semaphore_mem>>)
    %dma_start3A_10 = arith.constant 1 : i32
    %dma_start3A_11 = arith.constant 0 : i32
    %dma_start3A_12 = tpu.memref_slice %arg6[%dma_start3A_10, %dma_start3A_11] : memref<160x125xi32, #tpu.memory_space<vmem>> -> memref<1x125xi32, #tpu.memory_space<vmem>>
    %dma_start3A_13 = tpu.memref_squeeze %dma_start3A_12 : memref<1x125xi32, #tpu.memory_space<vmem>> -> memref<125xi32, #tpu.memory_space<vmem>>
    %dma_start3A_14 = arith.constant 0 : i32
    %dma_start3A_15 = arith.constant 0 : i32
    %dma_start3A_16 = tpu.memref_slice %arg2[%arg0, %dma_start3A_14, %dma_start3A_15] : memref<2x10000x64xf32, #tpu.memory_space<hbm>> -> memref<1x10000x64xf32, #tpu.memory_space<hbm>>
    %dma_start3A_17 = tpu.memref_squeeze %dma_start3A_16 : memref<1x10000x64xf32, #tpu.memory_space<hbm>> -> memref<10000x64xf32, #tpu.memory_space<hbm>>
    %dma_start3A_18 = arith.constant 0 : i32
    %dma_start3A_19 = arith.constant 0 : i32
    %dma_start3A_20 = tpu.memref_slice %dma_start3A_17[%dma_start3A_18, %dma_start3A_19] : memref<10000x64xf32, #tpu.memory_space<hbm>> -> memref<10000x64xf32, #tpu.memory_space<hbm>>
    tpu.enqueue_indirect_dma source(%dma_start3A_20 : memref<10000x64xf32, #tpu.memory_space<hbm>>) target(%arg9 : memref<125x64xf32, #tpu.memory_space<vmem>>) offsets(%dma_start3A_13 : memref<125xi32, #tpu.memory_space<vmem>>) semaphore(%arg15 : memref<!tpu.dma_semaphore, #tpu.memory_space<semaphore_mem>>)
    %dma_start3A_21 = arith.constant 2 : i32
    %dma_start3A_22 = arith.constant 0 : i32
    %dma_start3A_23 = tpu.memref_slice %arg6[%dma_start3A_21, %dma_start3A_22] : memref<160x125xi32, #tpu.memory_space<vmem>> -> memref<1x125xi32, #tpu.memory_space<vmem>>
    %dma_start3A_24 = tpu.memref_squeeze %dma_start3A_23 : memref<1x125xi32, #tpu.memory_space<vmem>> -> memref<125xi32, #tpu.memory_space<vmem>>
    %dma_start3A_25 = arith.constant 0 : i32
    %dma_start3A_26 = arith.constant 0 : i32
    %dma_start3A_27 = tpu.memref_slice %arg2[%arg0, %dma_start3A_25, %dma_start3A_26] : memref<2x10000x64xf32, #tpu.memory_space<hbm>> -> memref<1x10000x64xf32, #tpu.memory_space<hbm>>
    %dma_start3A_28 = tpu.memref_squeeze %dma_start3A_27 : memref<1x10000x64xf32, #tpu.memory_space<hbm>> -> memref<10000x64xf32, #tpu.memory_space<hbm>>
    %dma_start3A_29 = arith.constant 0 : i32
    %dma_start3A_30 = arith.constant 0 : i32
    %dma_start3A_31 = tpu.memref_slice %dma_start3A_28[%dma_start3A_29, %dma_start3A_30] : memref<10000x64xf32, #tpu.memory_space<hbm>> -> memref<10000x64xf32, #tpu.memory_space<hbm>>
    tpu.enqueue_indirect_dma source(%dma_start3A_31 : memref<10000x64xf32, #tpu.memory_space<hbm>>) target(%arg10 : memref<125x64xf32, #tpu.memory_space<vmem>>) offsets(%dma_start3A_24 : memref<125xi32, #tpu.memory_space<vmem>>) semaphore(%arg16 : memref<!tpu.dma_semaphore, #tpu.memory_space<semaphore_mem>>)
    %dma_start3A_32 = arith.constant 3 : i32
    %dma_start3A_33 = arith.constant 0 : i32
    %dma_start3A_34 = tpu.memref_slice %arg6[%dma_start3A_32, %dma_start3A_33] : memref<160x125xi32, #tpu.memory_space<vmem>> -> memref<1x125xi32, #tpu.memory_space<vmem>>
    %dma_start3A_35 = tpu.memref_squeeze %dma_start3A_34 : memref<1x125xi32, #tpu.memory_space<vmem>> -> memref<125xi32, #tpu.memory_space<vmem>>
    %dma_start3A_36 = arith.constant 0 : i32
    %dma_start3A_37 = arith.constant 0 : i32
    %dma_start3A_38 = tpu.memref_slice %arg2[%arg0, %dma_start3A_36, %dma_start3A_37] : memref<2x10000x64xf32, #tpu.memory_space<hbm>> -> memref<1x10000x64xf32, #tpu.memory_space<hbm>>
    %dma_start3A_39 = tpu.memref_squeeze %dma_start3A_38 : memref<1x10000x64xf32, #tpu.memory_space<hbm>> -> memref<10000x64xf32, #tpu.memory_space<hbm>>
    %dma_start3A_40 = arith.constant 0 : i32
    %dma_start3A_41 = arith.constant 0 : i32
    %dma_start3A_42 = tpu.memref_slice %dma_start3A_39[%dma_start3A_40, %dma_start3A_41] : memref<10000x64xf32, #tpu.memory_space<hbm>> -> memref<10000x64xf32, #tpu.memory_space<hbm>>
    tpu.enqueue_indirect_dma source(%dma_start3A_42 : memref<10000x64xf32, #tpu.memory_space<hbm>>) target(%arg11 : memref<125x64xf32, #tpu.memory_space<vmem>>) offsets(%dma_start3A_35 : memref<125xi32, #tpu.memory_space<vmem>>) semaphore(%arg17 : memref<!tpu.dma_semaphore, #tpu.memory_space<semaphore_mem>>)
    %scan3A = arith.constant 0 : i32
    %scan3A_43 = arith.constant 0 : i32
    %scan3A_44 = arith.constant 208 : i32
    %scan3A_45 = arith.addi %scan3A_43, %scan3A_44 : i32
    %scan3A_46 = arith.constant 1 : i32
    scf.for %scan3A_138 = %scan3A_43 to %scan3A_45 step %scan3A_46  : i32 {
      %broadcast_in_dim3A = arith.constant 0.000000e+00 : f32
      %broadcast_in_dim3A_139 = vector.broadcast %broadcast_in_dim3A : f32 to vector<16xf32>
      %swap3A = arith.index_cast %scan3A_138 : i32 to index
      %swap3A_140 = arith.constant 0 : index
      %swap3A_141 = tpu.vector_load %arg12[%swap3A, %swap3A_140] {strides = array<i32>} : memref<208x64xf32, #tpu.memory_space<vmem>>, vector<1x16xf32>,
      %swap3A_142 = vector.shape_cast %swap3A_141 : vector<1x16xf32> to vector<16xf32>
      %swap3A_143 = vector.shape_cast %broadcast_in_dim3A_139 : vector<16xf32> to vector<1x16xf32>
      tpu.vector_store %arg12[%swap3A, %swap3A_140], %swap3A_143 {strides = array<i32>} : memref<208x64xf32, #tpu.memory_space<vmem>>, vector<1x16xf32>,
      %broadcast_in_dim3A_144 = arith.constant 0.000000e+00 : f32
      %broadcast_in_dim3A_145 = vector.broadcast %broadcast_in_dim3A_144 : f32 to vector<16xf32>
      %swap3A_146 = arith.index_cast %scan3A_138 : i32 to index
      %swap3A_147 = arith.constant 16 : index
      %swap3A_148 = tpu.vector_load %arg12[%swap3A_146, %swap3A_147] {strides = array<i32>} : memref<208x64xf32, #tpu.memory_space<vmem>>, vector<1x16xf32>,
      %swap3A_149 = vector.shape_cast %swap3A_148 : vector<1x16xf32> to vector<16xf32>
      %swap3A_150 = vector.shape_cast %broadcast_in_dim3A_145 : vector<16xf32> to vector<1x16xf32>
      tpu.vector_store %arg12[%swap3A_146, %swap3A_147], %swap3A_150 {strides = array<i32>} : memref<208x64xf32, #tpu.memory_space<vmem>>, vector<1x16xf32>,
      %broadcast_in_dim3A_151 = arith.constant 0.000000e+00 : f32
      %broadcast_in_dim3A_152 = vector.broadcast %broadcast_in_dim3A_151 : f32 to vector<16xf32>
      %swap3A_153 = arith.index_cast %scan3A_138 : i32 to index
      %swap3A_154 = arith.constant 32 : index
      %swap3A_155 = tpu.vector_load %arg12[%swap3A_153, %swap3A_154] {strides = array<i32>} : memref<208x64xf32, #tpu.memory_space<vmem>>, vector<1x16xf32>,
      %swap3A_156 = vector.shape_cast %swap3A_155 : vector<1x16xf32> to vector<16xf32>
      %swap3A_157 = vector.shape_cast %broadcast_in_dim3A_152 : vector<16xf32> to vector<1x16xf32>
      tpu.vector_store %arg12[%swap3A_153, %swap3A_154], %swap3A_157 {strides = array<i32>} : memref<208x64xf32, #tpu.memory_space<vmem>>, vector<1x16xf32>,
      %broadcast_in_dim3A_158 = arith.constant 0.000000e+00 : f32
      %broadcast_in_dim3A_159 = vector.broadcast %broadcast_in_dim3A_158 : f32 to vector<16xf32>
      %swap3A_160 = arith.index_cast %scan3A_138 : i32 to index
      %swap3A_161 = arith.constant 48 : index
      %swap3A_162 = tpu.vector_load %arg12[%swap3A_160, %swap3A_161] {strides = array<i32>} : memref<208x64xf32, #tpu.memory_space<vmem>>, vector<1x16xf32>,
      %swap3A_163 = vector.shape_cast %swap3A_162 : vector<1x16xf32> to vector<16xf32>
      %swap3A_164 = vector.shape_cast %broadcast_in_dim3A_159 : vector<16xf32> to vector<1x16xf32>
      tpu.vector_store %arg12[%swap3A_160, %swap3A_161], %swap3A_164 {strides = array<i32>} : memref<208x64xf32, #tpu.memory_space<vmem>>, vector<1x16xf32>,
    }
    %scan3A_47 = arith.constant 208 : i32
    %mul3A = arith.constant 624 : i32
    %mul3A_48 = arith.muli %arg1, %mul3A : i32
    %multiple_of3A = tpu.assume_multiple %mul3A_48, 8 : i32
    %add3A = arith.constant 0 : i32
    %add3A_49 = arith.addi %multiple_of3A, %add3A : i32
    "tpu.region"() ({
      %run_scoped3A = tpu.sem_alloc : memref<!tpu.dma_semaphore, #tpu.memory_space<semaphore_mem>>
      %dma_start3A_138 = arith.constant 0 : i32
      %dma_start3A_139 = tpu.memref_slice %arg13[%add3A_49, %dma_start3A_138] : memref<10000x64xf32, #tpu.memory_space<vmem_shared>> -> memref<208x64xf32, #tpu.memory_space<vmem_shared>>
      %dma_start3A_140 = arith.constant 0 : i32
      %dma_start3A_141 = tpu.memref_slice %arg13[%add3A_49, %dma_start3A_140] : memref<10000x64xf32, #tpu.memory_space<vmem_shared>> -> memref<208x64xf32, #tpu.memory_space<vmem_shared>>
      tpu.enqueue_dma source(%arg12 : memref<208x64xf32, #tpu.memory_space<vmem>>) target(%dma_start3A_141 : memref<208x64xf32, #tpu.memory_space<vmem_shared>>) target_semaphore(%run_scoped3A : memref<!tpu.dma_semaphore, #tpu.memory_space<semaphore_mem>>)
      %dma_wait3A_142 = arith.constant 0 : i32
      %dma_wait3A_143 = tpu.memref_slice %arg13[%add3A_49, %dma_wait3A_142] : memref<10000x64xf32, #tpu.memory_space<vmem_shared>> -> memref<208x64xf32, #tpu.memory_space<vmem_shared>>
      %dma_wait3A_144 = arith.constant 0 : i32
      %dma_wait3A_145 = tpu.memref_slice %arg13[%add3A_49, %dma_wait3A_144] : memref<10000x64xf32, #tpu.memory_space<vmem_shared>> -> memref<208x64xf32, #tpu.memory_space<vmem_shared>>
      tpu.wait_dma2 semaphore(%run_scoped3A : memref<!tpu.dma_semaphore, #tpu.memory_space<semaphore_mem>>) src(%arg12 : memref<208x64xf32, #tpu.memory_space<vmem>>) dst(%dma_wait3A_145 : memref<208x64xf32, #tpu.memory_space<vmem_shared>>)
      tpu.yield
    }) : () -> ()
    %add3A_50 = arith.constant 208 : i32
    %add3A_51 = arith.addi %multiple_of3A, %add3A_50 : i32
    "tpu.region"() ({
      %run_scoped3A = tpu.sem_alloc : memref<!tpu.dma_semaphore, #tpu.memory_space<semaphore_mem>>
      %dma_start3A_138 = arith.constant 0 : i32
      %dma_start3A_139 = tpu.memref_slice %arg13[%add3A_51, %dma_start3A_138] : memref<10000x64xf32, #tpu.memory_space<vmem_shared>> -> memref<208x64xf32, #tpu.memory_space<vmem_shared>>
      %dma_start3A_140 = arith.constant 0 : i32
      %dma_start3A_141 = tpu.memref_slice %arg13[%add3A_51, %dma_start3A_140] : memref<10000x64xf32, #tpu.memory_space<vmem_shared>> -> memref<208x64xf32, #tpu.memory_space<vmem_shared>>
      tpu.enqueue_dma source(%arg12 : memref<208x64xf32, #tpu.memory_space<vmem>>) target(%dma_start3A_141 : memref<208x64xf32, #tpu.memory_space<vmem_shared>>) target_semaphore(%run_scoped3A : memref<!tpu.dma_semaphore, #tpu.memory_space<semaphore_mem>>)
      %dma_wait3A_142 = arith.constant 0 : i32
      %dma_wait3A_143 = tpu.memref_slice %arg13[%add3A_51, %dma_wait3A_142] : memref<10000x64xf32, #tpu.memory_space<vmem_shared>> -> memref<208x64xf32, #tpu.memory_space<vmem_shared>>
      %dma_wait3A_144 = arith.constant 0 : i32
      %dma_wait3A_145 = tpu.memref_slice %arg13[%add3A_51, %dma_wait3A_144] : memref<10000x64xf32, #tpu.memory_space<vmem_shared>> -> memref<208x64xf32, #tpu.memory_space<vmem_shared>>
      tpu.wait_dma2 semaphore(%run_scoped3A : memref<!tpu.dma_semaphore, #tpu.memory_space<semaphore_mem>>) src(%arg12 : memref<208x64xf32, #tpu.memory_space<vmem>>) dst(%dma_wait3A_145 : memref<208x64xf32, #tpu.memory_space<vmem_shared>>)
      tpu.yield
    }) : () -> ()
    %add3A_52 = arith.constant 416 : i32
    %add3A_53 = arith.addi %multiple_of3A, %add3A_52 : i32
    "tpu.region"() ({
      %run_scoped3A = tpu.sem_alloc : memref<!tpu.dma_semaphore, #tpu.memory_space<semaphore_mem>>
      %dma_start3A_138 = arith.constant 0 : i32
      %dma_start3A_139 = tpu.memref_slice %arg13[%add3A_53, %dma_start3A_138] : memref<10000x64xf32, #tpu.memory_space<vmem_shared>> -> memref<208x64xf32, #tpu.memory_space<vmem_shared>>
      %dma_start3A_140 = arith.constant 0 : i32
      %dma_start3A_141 = tpu.memref_slice %arg13[%add3A_53, %dma_start3A_140] : memref<10000x64xf32, #tpu.memory_space<vmem_shared>> -> memref<208x64xf32, #tpu.memory_space<vmem_shared>>
      tpu.enqueue_dma source(%arg12 : memref<208x64xf32, #tpu.memory_space<vmem>>) target(%dma_start3A_141 : memref<208x64xf32, #tpu.memory_space<vmem_shared>>) target_semaphore(%run_scoped3A : memref<!tpu.dma_semaphore, #tpu.memory_space<semaphore_mem>>)
      %dma_wait3A_142 = arith.constant 0 : i32
      %dma_wait3A_143 = tpu.memref_slice %arg13[%add3A_53, %dma_wait3A_142] : memref<10000x64xf32, #tpu.memory_space<vmem_shared>> -> memref<208x64xf32, #tpu.memory_space<vmem_shared>>
      %dma_wait3A_144 = arith.constant 0 : i32
      %dma_wait3A_145 = tpu.memref_slice %arg13[%add3A_53, %dma_wait3A_144] : memref<10000x64xf32, #tpu.memory_space<vmem_shared>> -> memref<208x64xf32, #tpu.memory_space<vmem_shared>>
      tpu.wait_dma2 semaphore(%run_scoped3A : memref<!tpu.dma_semaphore, #tpu.memory_space<semaphore_mem>>) src(%arg12 : memref<208x64xf32, #tpu.memory_space<vmem>>) dst(%dma_wait3A_145 : memref<208x64xf32, #tpu.memory_space<vmem_shared>>)
      tpu.yield
    }) : () -> ()
    %eq3A = arith.constant 15 : i32
    %eq3A_54 = arith.cmpi eq, %arg1, %eq3A : i32
    %convert_element_type3A = arith.extui %eq3A_54 : i1 to i32
    %cond3A = arith.constant 0 : i32
    %cond3A_55 = arith.cmpi ne, %convert_element_type3A, %cond3A : i32
    scf.if %cond3A_55 {
      "tpu.region"() ({
        %run_scoped3A = tpu.sem_alloc : memref<!tpu.dma_semaphore, #tpu.memory_space<semaphore_mem>>
        %dma_start3A_138 = arith.constant 0 : i32
        %dma_start3A_139 = arith.constant 0 : i32
        %dma_start3A_140 = tpu.memref_slice %arg12[%dma_start3A_138, %dma_start3A_139] : memref<208x64xf32, #tpu.memory_space<vmem>> -> memref<16x64xf32, #tpu.memory_space<vmem>>
        %dma_start3A_141 = arith.constant 9984 : i32
        %dma_start3A_142 = arith.constant 0 : i32
        %dma_start3A_143 = tpu.memref_slice %arg13[%dma_start3A_141, %dma_start3A_142] : memref<10000x64xf32, #tpu.memory_space<vmem_shared>> -> memref<16x64xf32, #tpu.memory_space<vmem_shared>>
        %dma_start3A_144 = arith.constant 9984 : i32
        %dma_start3A_145 = arith.constant 0 : i32
        %dma_start3A_146 = tpu.memref_slice %arg13[%dma_start3A_144, %dma_start3A_145] : memref<10000x64xf32, #tpu.memory_space<vmem_shared>> -> memref<16x64xf32, #tpu.memory_space<vmem_shared>>
        %dma_start3A_147 = arith.constant 0 : i32
        %dma_start3A_148 = arith.constant 0 : i32
        %dma_start3A_149 = tpu.memref_slice %arg12[%dma_start3A_147, %dma_start3A_148] : memref<208x64xf32, #tpu.memory_space<vmem>> -> memref<16x64xf32, #tpu.memory_space<vmem>>
        tpu.enqueue_dma source(%dma_start3A_149 : memref<16x64xf32, #tpu.memory_space<vmem>>) target(%dma_start3A_146 : memref<16x64xf32, #tpu.memory_space<vmem_shared>>) target_semaphore(%run_scoped3A : memref<!tpu.dma_semaphore, #tpu.memory_space<semaphore_mem>>)
        %dma_wait3A_150 = arith.constant 0 : i32
        %dma_wait3A_151 = arith.constant 0 : i32
        %dma_wait3A_152 = tpu.memref_slice %arg12[%dma_wait3A_150, %dma_wait3A_151] : memref<208x64xf32, #tpu.memory_space<vmem>> -> memref<16x64xf32, #tpu.memory_space<vmem>>
        %dma_wait3A_153 = arith.constant 9984 : i32
        %dma_wait3A_154 = arith.constant 0 : i32
        %dma_wait3A_155 = tpu.memref_slice %arg13[%dma_wait3A_153, %dma_wait3A_154] : memref<10000x64xf32, #tpu.memory_space<vmem_shared>> -> memref<16x64xf32, #tpu.memory_space<vmem_shared>>
        %dma_wait3A_156 = arith.constant 9984 : i32
        %dma_wait3A_157 = arith.constant 0 : i32
        %dma_wait3A_158 = tpu.memref_slice %arg13[%dma_wait3A_156, %dma_wait3A_157] : memref<10000x64xf32, #tpu.memory_space<vmem_shared>> -> memref<16x64xf32, #tpu.memory_space<vmem_shared>>
        %dma_wait3A_159 = arith.constant 0 : i32
        %dma_wait3A_160 = arith.constant 0 : i32
        %dma_wait3A_161 = tpu.memref_slice %arg12[%dma_wait3A_159, %dma_wait3A_160] : memref<208x64xf32, #tpu.memory_space<vmem>> -> memref<16x64xf32, #tpu.memory_space<vmem>>
        tpu.wait_dma2 semaphore(%run_scoped3A : memref<!tpu.dma_semaphore, #tpu.memory_space<semaphore_mem>>) src(%dma_wait3A_161 : memref<16x64xf32, #tpu.memory_space<vmem>>) dst(%dma_wait3A_158 : memref<16x64xf32, #tpu.memory_space<vmem_shared>>)
        tpu.yield
      }) : () -> ()
    } else {
    }
    %barrier3A = arith.constant 0 : index
    tpu.barrier barrier_id(%barrier3A)
    %scan3A_56 = arith.constant 0 : i32
    %scan3A_57 = arith.constant 0 : i32
    %scan3A_58 = arith.constant 40 : i32
    %scan3A_59 = arith.addi %scan3A_57, %scan3A_58 : i32
    %scan3A_60 = arith.constant 1 : i32
    scf.for %scan3A_138 = %scan3A_57 to %scan3A_59 step %scan3A_60  : i32 {
      %mul3A_139 = arith.constant 4 : i32
      %mul3A_140 = arith.muli %scan3A_138, %mul3A_139 : i32
      %add3A_141 = arith.constant 0 : i32
      %add3A_142 = arith.addi %mul3A_140, %add3A_141 : i32
      %dma_wait3A_143 = arith.constant 0 : i32
      %dma_wait3A_144 = arith.constant 0 : i32
      %dma_wait3A_145 = tpu.memref_slice %arg2[%arg0, %dma_wait3A_143, %dma_wait3A_144] : memref<2x10000x64xf32, #tpu.memory_space<hbm>> -> memref<1x10000x64xf32, #tpu.memory_space<hbm>>
      %dma_wait3A_146 = tpu.memref_squeeze %dma_wait3A_145 : memref<1x10000x64xf32, #tpu.memory_space<hbm>> -> memref<10000x64xf32, #tpu.memory_space<hbm>>
      %dma_wait3A_147 = arith.constant 0 : i32
      %dma_wait3A_148 = arith.constant 0 : i32
      %dma_wait3A_149 = tpu.memref_slice %dma_wait3A_146[%dma_wait3A_147, %dma_wait3A_148] : memref<10000x64xf32, #tpu.memory_space<hbm>> -> memref<125x64xf32, #tpu.memory_space<hbm>>
      %dma_wait3A_150 = arith.constant 0 : i32
      %dma_wait3A_151 = arith.constant 0 : i32
      %dma_wait3A_152 = tpu.memref_slice %arg2[%arg0, %dma_wait3A_150, %dma_wait3A_151] : memref<2x10000x64xf32, #tpu.memory_space<hbm>> -> memref<1x10000x64xf32, #tpu.memory_space<hbm>>
      %dma_wait3A_153 = tpu.memref_squeeze %dma_wait3A_152 : memref<1x10000x64xf32, #tpu.memory_space<hbm>> -> memref<10000x64xf32, #tpu.memory_space<hbm>>
      %dma_wait3A_154 = arith.constant 0 : i32
      %dma_wait3A_155 = arith.constant 0 : i32
      %dma_wait3A_156 = tpu.memref_slice %dma_wait3A_153[%dma_wait3A_154, %dma_wait3A_155] : memref<10000x64xf32, #tpu.memory_space<hbm>> -> memref<125x64xf32, #tpu.memory_space<hbm>>
      tpu.wait_dma2 semaphore(%arg14 : memref<!tpu.dma_semaphore, #tpu.memory_space<semaphore_mem>>) src(%dma_wait3A_156 : memref<125x64xf32, #tpu.memory_space<hbm>>) dst(%arg8 : memref<125x64xf32, #tpu.memory_space<vmem>>)
      %dma_start3A_157 = arith.constant 0 : i32
      %dma_start3A_158 = tpu.memref_slice %arg7[%add3A_142, %dma_start3A_157] : memref<160x125xi32, #tpu.memory_space<vmem>> -> memref<1x125xi32, #tpu.memory_space<vmem>>
      %dma_start3A_159 = tpu.memref_squeeze %dma_start3A_158 : memref<1x125xi32, #tpu.memory_space<vmem>> -> memref<125xi32, #tpu.memory_space<vmem>>
      %dma_start3A_160 = arith.constant 0 : i32
      %dma_start3A_161 = arith.constant 0 : i32
      %dma_start3A_162 = tpu.memref_slice %arg13[%dma_start3A_160, %dma_start3A_161] : memref<10000x64xf32, #tpu.memory_space<vmem_shared>> -> memref<10000x64xf32, #tpu.memory_space<vmem_shared>>
      tpu.enqueue_indirect_dma source(%arg8 : memref<125x64xf32, #tpu.memory_space<vmem>>) target(%dma_start3A_162 : memref<10000x64xf32, #tpu.memory_space<vmem_shared>>) offsets(%dma_start3A_159 : memref<125xi32, #tpu.memory_space<vmem>>) semaphore(%arg18 : memref<!tpu.dma_semaphore, #tpu.memory_space<semaphore_mem>>) {add = true}
      %mul3A_163 = arith.constant 4 : i32
      %mul3A_164 = arith.muli %scan3A_138, %mul3A_163 : i32
      %add3A_165 = arith.constant 1 : i32
      %add3A_166 = arith.addi %mul3A_164, %add3A_165 : i32
      %dma_wait3A_167 = arith.constant 0 : i32
      %dma_wait3A_168 = arith.constant 0 : i32
      %dma_wait3A_169 = tpu.memref_slice %arg2[%arg0, %dma_wait3A_167, %dma_wait3A_168] : memref<2x10000x64xf32, #tpu.memory_space<hbm>> -> memref<1x10000x64xf32, #tpu.memory_space<hbm>>
      %dma_wait3A_170 = tpu.memref_squeeze %dma_wait3A_169 : memref<1x10000x64xf32, #tpu.memory_space<hbm>> -> memref<10000x64xf32, #tpu.memory_space<hbm>>
      %dma_wait3A_171 = arith.constant 0 : i32
      %dma_wait3A_172 = arith.constant 0 : i32
      %dma_wait3A_173 = tpu.memref_slice %dma_wait3A_170[%dma_wait3A_171, %dma_wait3A_172] : memref<10000x64xf32, #tpu.memory_space<hbm>> -> memref<125x64xf32, #tpu.memory_space<hbm>>
      %dma_wait3A_174 = arith.constant 0 : i32
      %dma_wait3A_175 = arith.constant 0 : i32
      %dma_wait3A_176 = tpu.memref_slice %arg2[%arg0, %dma_wait3A_174, %dma_wait3A_175] : memref<2x10000x64xf32, #tpu.memory_space<hbm>> -> memref<1x10000x64xf32, #tpu.memory_space<hbm>>
      %dma_wait3A_177 = tpu.memref_squeeze %dma_wait3A_176 : memref<1x10000x64xf32, #tpu.memory_space<hbm>> -> memref<10000x64xf32, #tpu.memory_space<hbm>>
      %dma_wait3A_178 = arith.constant 0 : i32
      %dma_wait3A_179 = arith.constant 0 : i32
      %dma_wait3A_180 = tpu.memref_slice %dma_wait3A_177[%dma_wait3A_178, %dma_wait3A_179] : memref<10000x64xf32, #tpu.memory_space<hbm>> -> memref<125x64xf32, #tpu.memory_space<hbm>>
      tpu.wait_dma2 semaphore(%arg15 : memref<!tpu.dma_semaphore, #tpu.memory_space<semaphore_mem>>) src(%dma_wait3A_180 : memref<125x64xf32, #tpu.memory_space<hbm>>) dst(%arg9 : memref<125x64xf32, #tpu.memory_space<vmem>>)
      %dma_start3A_181 = arith.constant 0 : i32
      %dma_start3A_182 = tpu.memref_slice %arg7[%add3A_166, %dma_start3A_181] : memref<160x125xi32, #tpu.memory_space<vmem>> -> memref<1x125xi32, #tpu.memory_space<vmem>>
      %dma_start3A_183 = tpu.memref_squeeze %dma_start3A_182 : memref<1x125xi32, #tpu.memory_space<vmem>> -> memref<125xi32, #tpu.memory_space<vmem>>
      %dma_start3A_184 = arith.constant 0 : i32
      %dma_start3A_185 = arith.constant 0 : i32
      %dma_start3A_186 = tpu.memref_slice %arg13[%dma_start3A_184, %dma_start3A_185] : memref<10000x64xf32, #tpu.memory_space<vmem_shared>> -> memref<10000x64xf32, #tpu.memory_space<vmem_shared>>
      tpu.enqueue_indirect_dma source(%arg9 : memref<125x64xf32, #tpu.memory_space<vmem>>) target(%dma_start3A_186 : memref<10000x64xf32, #tpu.memory_space<vmem_shared>>) offsets(%dma_start3A_183 : memref<125xi32, #tpu.memory_space<vmem>>) semaphore(%arg19 : memref<!tpu.dma_semaphore, #tpu.memory_space<semaphore_mem>>) {add = true}
      %mul3A_187 = arith.constant 4 : i32
      %mul3A_188 = arith.muli %scan3A_138, %mul3A_187 : i32
      %add3A_189 = arith.constant 2 : i32
      %add3A_190 = arith.addi %mul3A_188, %add3A_189 : i32
      %dma_wait3A_191 = arith.constant 0 : i32
      %dma_wait3A_192 = arith.constant 0 : i32
      %dma_wait3A_193 = tpu.memref_slice %arg2[%arg0, %dma_wait3A_191, %dma_wait3A_192] : memref<2x10000x64xf32, #tpu.memory_space<hbm>> -> memref<1x10000x64xf32, #tpu.memory_space<hbm>>
      %dma_wait3A_194 = tpu.memref_squeeze %dma_wait3A_193 : memref<1x10000x64xf32, #tpu.memory_space<hbm>> -> memref<10000x64xf32, #tpu.memory_space<hbm>>
      %dma_wait3A_195 = arith.constant 0 : i32
      %dma_wait3A_196 = arith.constant 0 : i32
      %dma_wait3A_197 = tpu.memref_slice %dma_wait3A_194[%dma_wait3A_195, %dma_wait3A_196] : memref<10000x64xf32, #tpu.memory_space<hbm>> -> memref<125x64xf32, #tpu.memory_space<hbm>>
      %dma_wait3A_198 = arith.constant 0 : i32
      %dma_wait3A_199 = arith.constant 0 : i32
      %dma_wait3A_200 = tpu.memref_slice %arg2[%arg0, %dma_wait3A_198, %dma_wait3A_199] : memref<2x10000x64xf32, #tpu.memory_space<hbm>> -> memref<1x10000x64xf32, #tpu.memory_space<hbm>>
      %dma_wait3A_201 = tpu.memref_squeeze %dma_wait3A_200 : memref<1x10000x64xf32, #tpu.memory_space<hbm>> -> memref<10000x64xf32, #tpu.memory_space<hbm>>
      %dma_wait3A_202 = arith.constant 0 : i32
      %dma_wait3A_203 = arith.constant 0 : i32
      %dma_wait3A_204 = tpu.memref_slice %dma_wait3A_201[%dma_wait3A_202, %dma_wait3A_203] : memref<10000x64xf32, #tpu.memory_space<hbm>> -> memref<125x64xf32, #tpu.memory_space<hbm>>
      tpu.wait_dma2 semaphore(%arg16 : memref<!tpu.dma_semaphore, #tpu.memory_space<semaphore_mem>>) src(%dma_wait3A_204 : memref<125x64xf32, #tpu.memory_space<hbm>>) dst(%arg10 : memref<125x64xf32, #tpu.memory_space<vmem>>)
      %dma_start3A_205 = arith.constant 0 : i32
      %dma_start3A_206 = tpu.memref_slice %arg7[%add3A_190, %dma_start3A_205] : memref<160x125xi32, #tpu.memory_space<vmem>> -> memref<1x125xi32, #tpu.memory_space<vmem>>
      %dma_start3A_207 = tpu.memref_squeeze %dma_start3A_206 : memref<1x125xi32, #tpu.memory_space<vmem>> -> memref<125xi32, #tpu.memory_space<vmem>>
      %dma_start3A_208 = arith.constant 0 : i32
      %dma_start3A_209 = arith.constant 0 : i32
      %dma_start3A_210 = tpu.memref_slice %arg13[%dma_start3A_208, %dma_start3A_209] : memref<10000x64xf32, #tpu.memory_space<vmem_shared>> -> memref<10000x64xf32, #tpu.memory_space<vmem_shared>>
      tpu.enqueue_indirect_dma source(%arg10 : memref<125x64xf32, #tpu.memory_space<vmem>>) target(%dma_start3A_210 : memref<10000x64xf32, #tpu.memory_space<vmem_shared>>) offsets(%dma_start3A_207 : memref<125xi32, #tpu.memory_space<vmem>>) semaphore(%arg20 : memref<!tpu.dma_semaphore, #tpu.memory_space<semaphore_mem>>) {add = true}
      %mul3A_211 = arith.constant 4 : i32
      %mul3A_212 = arith.muli %scan3A_138, %mul3A_211 : i32
      %add3A_213 = arith.constant 3 : i32
      %add3A_214 = arith.addi %mul3A_212, %add3A_213 : i32
      %dma_wait3A_215 = arith.constant 0 : i32
      %dma_wait3A_216 = arith.constant 0 : i32
      %dma_wait3A_217 = tpu.memref_slice %arg2[%arg0, %dma_wait3A_215, %dma_wait3A_216] : memref<2x10000x64xf32, #tpu.memory_space<hbm>> -> memref<1x10000x64xf32, #tpu.memory_space<hbm>>
      %dma_wait3A_218 = tpu.memref_squeeze %dma_wait3A_217 : memref<1x10000x64xf32, #tpu.memory_space<hbm>> -> memref<10000x64xf32, #tpu.memory_space<hbm>>
      %dma_wait3A_219 = arith.constant 0 : i32
      %dma_wait3A_220 = arith.constant 0 : i32
      %dma_wait3A_221 = tpu.memref_slice %dma_wait3A_218[%dma_wait3A_219, %dma_wait3A_220] : memref<10000x64xf32, #tpu.memory_space<hbm>> -> memref<125x64xf32, #tpu.memory_space<hbm>>
      %dma_wait3A_222 = arith.constant 0 : i32
      %dma_wait3A_223 = arith.constant 0 : i32
      %dma_wait3A_224 = tpu.memref_slice %arg2[%arg0, %dma_wait3A_222, %dma_wait3A_223] : memref<2x10000x64xf32, #tpu.memory_space<hbm>> -> memref<1x10000x64xf32, #tpu.memory_space<hbm>>
      %dma_wait3A_225 = tpu.memref_squeeze %dma_wait3A_224 : memref<1x10000x64xf32, #tpu.memory_space<hbm>> -> memref<10000x64xf32, #tpu.memory_space<hbm>>
      %dma_wait3A_226 = arith.constant 0 : i32
      %dma_wait3A_227 = arith.constant 0 : i32
      %dma_wait3A_228 = tpu.memref_slice %dma_wait3A_225[%dma_wait3A_226, %dma_wait3A_227] : memref<10000x64xf32, #tpu.memory_space<hbm>> -> memref<125x64xf32, #tpu.memory_space<hbm>>
      tpu.wait_dma2 semaphore(%arg17 : memref<!tpu.dma_semaphore, #tpu.memory_space<semaphore_mem>>) src(%dma_wait3A_228 : memref<125x64xf32, #tpu.memory_space<hbm>>) dst(%arg11 : memref<125x64xf32, #tpu.memory_space<vmem>>)
      %dma_start3A_229 = arith.constant 0 : i32
      %dma_start3A_230 = tpu.memref_slice %arg7[%add3A_214, %dma_start3A_229] : memref<160x125xi32, #tpu.memory_space<vmem>> -> memref<1x125xi32, #tpu.memory_space<vmem>>
      %dma_start3A_231 = tpu.memref_squeeze %dma_start3A_230 : memref<1x125xi32, #tpu.memory_space<vmem>> -> memref<125xi32, #tpu.memory_space<vmem>>
      %dma_start3A_232 = arith.constant 0 : i32
      %dma_start3A_233 = arith.constant 0 : i32
      %dma_start3A_234 = tpu.memref_slice %arg13[%dma_start3A_232, %dma_start3A_233] : memref<10000x64xf32, #tpu.memory_space<vmem_shared>> -> memref<10000x64xf32, #tpu.memory_space<vmem_shared>>
      tpu.enqueue_indirect_dma source(%arg11 : memref<125x64xf32, #tpu.memory_space<vmem>>) target(%dma_start3A_234 : memref<10000x64xf32, #tpu.memory_space<vmem_shared>>) offsets(%dma_start3A_231 : memref<125xi32, #tpu.memory_space<vmem>>) semaphore(%arg21 : memref<!tpu.dma_semaphore, #tpu.memory_space<semaphore_mem>>) {add = true}
      %mul3A_235 = arith.constant 4 : i32
      %mul3A_236 = arith.muli %scan3A_138, %mul3A_235 : i32
      %add3A_237 = arith.constant 0 : i32
      %add3A_238 = arith.addi %mul3A_236, %add3A_237 : i32
      %add3A_239 = arith.constant 4 : i32
      %add3A_240 = arith.addi %add3A_238, %add3A_239 : i32
      %lt3A = arith.constant 160 : i32
      %lt3A_241 = arith.cmpi slt, %add3A_240, %lt3A : i32
      %convert_element_type3A_242 = arith.extui %lt3A_241 : i1 to i32
      %cond3A_243 = arith.constant 0 : i32
      %cond3A_244 = arith.cmpi ne, %convert_element_type3A_242, %cond3A_243 : i32
      scf.if %cond3A_244 {
        %dma_wait3A_278 = arith.constant 0 : i32
        %dma_wait3A_279 = arith.constant 0 : i32
        %dma_wait3A_280 = tpu.memref_slice %arg2[%arg0, %dma_wait3A_278, %dma_wait3A_279] : memref<2x10000x64xf32, #tpu.memory_space<hbm>> -> memref<1x10000x64xf32, #tpu.memory_space<hbm>>
        %dma_wait3A_281 = tpu.memref_squeeze %dma_wait3A_280 : memref<1x10000x64xf32, #tpu.memory_space<hbm>> -> memref<10000x64xf32, #tpu.memory_space<hbm>>
        %dma_wait3A_282 = arith.constant 0 : i32
        %dma_wait3A_283 = arith.constant 0 : i32
        %dma_wait3A_284 = tpu.memref_slice %dma_wait3A_281[%dma_wait3A_282, %dma_wait3A_283] : memref<10000x64xf32, #tpu.memory_space<hbm>> -> memref<125x64xf32, #tpu.memory_space<hbm>>
        %dma_wait3A_285 = arith.constant 0 : i32
        %dma_wait3A_286 = arith.constant 0 : i32
        %dma_wait3A_287 = tpu.memref_slice %arg2[%arg0, %dma_wait3A_285, %dma_wait3A_286] : memref<2x10000x64xf32, #tpu.memory_space<hbm>> -> memref<1x10000x64xf32, #tpu.memory_space<hbm>>
        %dma_wait3A_288 = tpu.memref_squeeze %dma_wait3A_287 : memref<1x10000x64xf32, #tpu.memory_space<hbm>> -> memref<10000x64xf32, #tpu.memory_space<hbm>>
        %dma_wait3A_289 = arith.constant 0 : i32
        %dma_wait3A_290 = arith.constant 0 : i32
        %dma_wait3A_291 = tpu.memref_slice %dma_wait3A_288[%dma_wait3A_289, %dma_wait3A_290] : memref<10000x64xf32, #tpu.memory_space<hbm>> -> memref<125x64xf32, #tpu.memory_space<hbm>>
        tpu.wait_dma2 semaphore(%arg18 : memref<!tpu.dma_semaphore, #tpu.memory_space<semaphore_mem>>) src(%dma_wait3A_291 : memref<125x64xf32, #tpu.memory_space<hbm>>) dst(%arg8 : memref<125x64xf32, #tpu.memory_space<vmem>>)
        %dma_start3A_292 = arith.constant 0 : i32
        %dma_start3A_293 = tpu.memref_slice %arg6[%add3A_240, %dma_start3A_292] : memref<160x125xi32, #tpu.memory_space<vmem>> -> memref<1x125xi32, #tpu.memory_space<vmem>>
        %dma_start3A_294 = tpu.memref_squeeze %dma_start3A_293 : memref<1x125xi32, #tpu.memory_space<vmem>> -> memref<125xi32, #tpu.memory_space<vmem>>
        %dma_start3A_295 = arith.constant 0 : i32
        %dma_start3A_296 = arith.constant 0 : i32
        %dma_start3A_297 = tpu.memref_slice %arg2[%arg0, %dma_start3A_295, %dma_start3A_296] : memref<2x10000x64xf32, #tpu.memory_space<hbm>> -> memref<1x10000x64xf32, #tpu.memory_space<hbm>>
        %dma_start3A_298 = tpu.memref_squeeze %dma_start3A_297 : memref<1x10000x64xf32, #tpu.memory_space<hbm>> -> memref<10000x64xf32, #tpu.memory_space<hbm>>
        %dma_start3A_299 = arith.constant 0 : i32
        %dma_start3A_300 = arith.constant 0 : i32
        %dma_start3A_301 = tpu.memref_slice %dma_start3A_298[%dma_start3A_299, %dma_start3A_300] : memref<10000x64xf32, #tpu.memory_space<hbm>> -> memref<10000x64xf32, #tpu.memory_space<hbm>>
        tpu.enqueue_indirect_dma source(%dma_start3A_301 : memref<10000x64xf32, #tpu.memory_space<hbm>>) target(%arg8 : memref<125x64xf32, #tpu.memory_space<vmem>>) offsets(%dma_start3A_294 : memref<125xi32, #tpu.memory_space<vmem>>) semaphore(%arg14 : memref<!tpu.dma_semaphore, #tpu.memory_space<semaphore_mem>>)
      } else {
      }
      %mul3A_245 = arith.constant 4 : i32
      %mul3A_246 = arith.muli %scan3A_138, %mul3A_245 : i32
      %add3A_247 = arith.constant 1 : i32
      %add3A_248 = arith.addi %mul3A_246, %add3A_247 : i32
      %add3A_249 = arith.constant 4 : i32
      %add3A_250 = arith.addi %add3A_248, %add3A_249 : i32
      %lt3A_251 = arith.constant 160 : i32
      %lt3A_252 = arith.cmpi slt, %add3A_250, %lt3A_251 : i32
      %convert_element_type3A_253 = arith.extui %lt3A_252 : i1 to i32
      %cond3A_254 = arith.constant 0 : i32
      %cond3A_255 = arith.cmpi ne, %convert_element_type3A_253, %cond3A_254 : i32
      scf.if %cond3A_255 {
        %dma_wait3A_278 = arith.constant 0 : i32
        %dma_wait3A_279 = arith.constant 0 : i32
        %dma_wait3A_280 = tpu.memref_slice %arg2[%arg0, %dma_wait3A_278, %dma_wait3A_279] : memref<2x10000x64xf32, #tpu.memory_space<hbm>> -> memref<1x10000x64xf32, #tpu.memory_space<hbm>>
        %dma_wait3A_281 = tpu.memref_squeeze %dma_wait3A_280 : memref<1x10000x64xf32, #tpu.memory_space<hbm>> -> memref<10000x64xf32, #tpu.memory_space<hbm>>
        %dma_wait3A_282 = arith.constant 0 : i32
        %dma_wait3A_283 = arith.constant 0 : i32
        %dma_wait3A_284 = tpu.memref_slice %dma_wait3A_281[%dma_wait3A_282, %dma_wait3A_283] : memref<10000x64xf32, #tpu.memory_space<hbm>> -> memref<125x64xf32, #tpu.memory_space<hbm>>
        %dma_wait3A_285 = arith.constant 0 : i32
        %dma_wait3A_286 = arith.constant 0 : i32
        %dma_wait3A_287 = tpu.memref_slice %arg2[%arg0, %dma_wait3A_285, %dma_wait3A_286] : memref<2x10000x64xf32, #tpu.memory_space<hbm>> -> memref<1x10000x64xf32, #tpu.memory_space<hbm>>
        %dma_wait3A_288 = tpu.memref_squeeze %dma_wait3A_287 : memref<1x10000x64xf32, #tpu.memory_space<hbm>> -> memref<10000x64xf32, #tpu.memory_space<hbm>>
        %dma_wait3A_289 = arith.constant 0 : i32
        %dma_wait3A_290 = arith.constant 0 : i32
        %dma_wait3A_291 = tpu.memref_slice %dma_wait3A_288[%dma_wait3A_289, %dma_wait3A_290] : memref<10000x64xf32, #tpu.memory_space<hbm>> -> memref<125x64xf32, #tpu.memory_space<hbm>>
        tpu.wait_dma2 semaphore(%arg19 : memref<!tpu.dma_semaphore, #tpu.memory_space<semaphore_mem>>) src(%dma_wait3A_291 : memref<125x64xf32, #tpu.memory_space<hbm>>) dst(%arg9 : memref<125x64xf32, #tpu.memory_space<vmem>>)
        %dma_start3A_292 = arith.constant 0 : i32
        %dma_start3A_293 = tpu.memref_slice %arg6[%add3A_250, %dma_start3A_292] : memref<160x125xi32, #tpu.memory_space<vmem>> -> memref<1x125xi32, #tpu.memory_space<vmem>>
        %dma_start3A_294 = tpu.memref_squeeze %dma_start3A_293 : memref<1x125xi32, #tpu.memory_space<vmem>> -> memref<125xi32, #tpu.memory_space<vmem>>
        %dma_start3A_295 = arith.constant 0 : i32
        %dma_start3A_296 = arith.constant 0 : i32
        %dma_start3A_297 = tpu.memref_slice %arg2[%arg0, %dma_start3A_295, %dma_start3A_296] : memref<2x10000x64xf32, #tpu.memory_space<hbm>> -> memref<1x10000x64xf32, #tpu.memory_space<hbm>>
        %dma_start3A_298 = tpu.memref_squeeze %dma_start3A_297 : memref<1x10000x64xf32, #tpu.memory_space<hbm>> -> memref<10000x64xf32, #tpu.memory_space<hbm>>
        %dma_start3A_299 = arith.constant 0 : i32
        %dma_start3A_300 = arith.constant 0 : i32
        %dma_start3A_301 = tpu.memref_slice %dma_start3A_298[%dma_start3A_299, %dma_start3A_300] : memref<10000x64xf32, #tpu.memory_space<hbm>> -> memref<10000x64xf32, #tpu.memory_space<hbm>>
        tpu.enqueue_indirect_dma source(%dma_start3A_301 : memref<10000x64xf32, #tpu.memory_space<hbm>>) target(%arg9 : memref<125x64xf32, #tpu.memory_space<vmem>>) offsets(%dma_start3A_294 : memref<125xi32, #tpu.memory_space<vmem>>) semaphore(%arg15 : memref<!tpu.dma_semaphore, #tpu.memory_space<semaphore_mem>>)
      } else {
      }
      %mul3A_256 = arith.constant 4 : i32
      %mul3A_257 = arith.muli %scan3A_138, %mul3A_256 : i32
      %add3A_258 = arith.constant 2 : i32
      %add3A_259 = arith.addi %mul3A_257, %add3A_258 : i32
      %add3A_260 = arith.constant 4 : i32
      %add3A_261 = arith.addi %add3A_259, %add3A_260 : i32
      %lt3A_262 = arith.constant 160 : i32
      %lt3A_263 = arith.cmpi slt, %add3A_261, %lt3A_262 : i32
      %convert_element_type3A_264 = arith.extui %lt3A_263 : i1 to i32
      %cond3A_265 = arith.constant 0 : i32
      %cond3A_266 = arith.cmpi ne, %convert_element_type3A_264, %cond3A_265 : i32
      scf.if %cond3A_266 {
        %dma_wait3A_278 = arith.constant 0 : i32
        %dma_wait3A_279 = arith.constant 0 : i32
        %dma_wait3A_280 = tpu.memref_slice %arg2[%arg0, %dma_wait3A_278, %dma_wait3A_279] : memref<2x10000x64xf32, #tpu.memory_space<hbm>> -> memref<1x10000x64xf32, #tpu.memory_space<hbm>>
        %dma_wait3A_281 = tpu.memref_squeeze %dma_wait3A_280 : memref<1x10000x64xf32, #tpu.memory_space<hbm>> -> memref<10000x64xf32, #tpu.memory_space<hbm>>
        %dma_wait3A_282 = arith.constant 0 : i32
        %dma_wait3A_283 = arith.constant 0 : i32
        %dma_wait3A_284 = tpu.memref_slice %dma_wait3A_281[%dma_wait3A_282, %dma_wait3A_283] : memref<10000x64xf32, #tpu.memory_space<hbm>> -> memref<125x64xf32, #tpu.memory_space<hbm>>
        %dma_wait3A_285 = arith.constant 0 : i32
        %dma_wait3A_286 = arith.constant 0 : i32
        %dma_wait3A_287 = tpu.memref_slice %arg2[%arg0, %dma_wait3A_285, %dma_wait3A_286] : memref<2x10000x64xf32, #tpu.memory_space<hbm>> -> memref<1x10000x64xf32, #tpu.memory_space<hbm>>
        %dma_wait3A_288 = tpu.memref_squeeze %dma_wait3A_287 : memref<1x10000x64xf32, #tpu.memory_space<hbm>> -> memref<10000x64xf32, #tpu.memory_space<hbm>>
        %dma_wait3A_289 = arith.constant 0 : i32
        %dma_wait3A_290 = arith.constant 0 : i32
        %dma_wait3A_291 = tpu.memref_slice %dma_wait3A_288[%dma_wait3A_289, %dma_wait3A_290] : memref<10000x64xf32, #tpu.memory_space<hbm>> -> memref<125x64xf32, #tpu.memory_space<hbm>>
        tpu.wait_dma2 semaphore(%arg20 : memref<!tpu.dma_semaphore, #tpu.memory_space<semaphore_mem>>) src(%dma_wait3A_291 : memref<125x64xf32, #tpu.memory_space<hbm>>) dst(%arg10 : memref<125x64xf32, #tpu.memory_space<vmem>>)
        %dma_start3A_292 = arith.constant 0 : i32
        %dma_start3A_293 = tpu.memref_slice %arg6[%add3A_261, %dma_start3A_292] : memref<160x125xi32, #tpu.memory_space<vmem>> -> memref<1x125xi32, #tpu.memory_space<vmem>>
        %dma_start3A_294 = tpu.memref_squeeze %dma_start3A_293 : memref<1x125xi32, #tpu.memory_space<vmem>> -> memref<125xi32, #tpu.memory_space<vmem>>
        %dma_start3A_295 = arith.constant 0 : i32
        %dma_start3A_296 = arith.constant 0 : i32
        %dma_start3A_297 = tpu.memref_slice %arg2[%arg0, %dma_start3A_295, %dma_start3A_296] : memref<2x10000x64xf32, #tpu.memory_space<hbm>> -> memref<1x10000x64xf32, #tpu.memory_space<hbm>>
        %dma_start3A_298 = tpu.memref_squeeze %dma_start3A_297 : memref<1x10000x64xf32, #tpu.memory_space<hbm>> -> memref<10000x64xf32, #tpu.memory_space<hbm>>
        %dma_start3A_299 = arith.constant 0 : i32
        %dma_start3A_300 = arith.constant 0 : i32
        %dma_start3A_301 = tpu.memref_slice %dma_start3A_298[%dma_start3A_299, %dma_start3A_300] : memref<10000x64xf32, #tpu.memory_space<hbm>> -> memref<10000x64xf32, #tpu.memory_space<hbm>>
        tpu.enqueue_indirect_dma source(%dma_start3A_301 : memref<10000x64xf32, #tpu.memory_space<hbm>>) target(%arg10 : memref<125x64xf32, #tpu.memory_space<vmem>>) offsets(%dma_start3A_294 : memref<125xi32, #tpu.memory_space<vmem>>) semaphore(%arg16 : memref<!tpu.dma_semaphore, #tpu.memory_space<semaphore_mem>>)
      } else {
      }
      %mul3A_267 = arith.constant 4 : i32
      %mul3A_268 = arith.muli %scan3A_138, %mul3A_267 : i32
      %add3A_269 = arith.constant 3 : i32
      %add3A_270 = arith.addi %mul3A_268, %add3A_269 : i32
      %add3A_271 = arith.constant 4 : i32
      %add3A_272 = arith.addi %add3A_270, %add3A_271 : i32
      %lt3A_273 = arith.constant 160 : i32
      %lt3A_274 = arith.cmpi slt, %add3A_272, %lt3A_273 : i32
      %convert_element_type3A_275 = arith.extui %lt3A_274 : i1 to i32
      %cond3A_276 = arith.constant 0 : i32
      %cond3A_277 = arith.cmpi ne, %convert_element_type3A_275, %cond3A_276 : i32
      scf.if %cond3A_277 {
        %dma_wait3A_278 = arith.constant 0 : i32
        %dma_wait3A_279 = arith.constant 0 : i32
        %dma_wait3A_280 = tpu.memref_slice %arg2[%arg0, %dma_wait3A_278, %dma_wait3A_279] : memref<2x10000x64xf32, #tpu.memory_space<hbm>> -> memref<1x10000x64xf32, #tpu.memory_space<hbm>>
        %dma_wait3A_281 = tpu.memref_squeeze %dma_wait3A_280 : memref<1x10000x64xf32, #tpu.memory_space<hbm>> -> memref<10000x64xf32, #tpu.memory_space<hbm>>
        %dma_wait3A_282 = arith.constant 0 : i32
        %dma_wait3A_283 = arith.constant 0 : i32
        %dma_wait3A_284 = tpu.memref_slice %dma_wait3A_281[%dma_wait3A_282, %dma_wait3A_283] : memref<10000x64xf32, #tpu.memory_space<hbm>> -> memref<125x64xf32, #tpu.memory_space<hbm>>
        %dma_wait3A_285 = arith.constant 0 : i32
        %dma_wait3A_286 = arith.constant 0 : i32
        %dma_wait3A_287 = tpu.memref_slice %arg2[%arg0, %dma_wait3A_285, %dma_wait3A_286] : memref<2x10000x64xf32, #tpu.memory_space<hbm>> -> memref<1x10000x64xf32, #tpu.memory_space<hbm>>
        %dma_wait3A_288 = tpu.memref_squeeze %dma_wait3A_287 : memref<1x10000x64xf32, #tpu.memory_space<hbm>> -> memref<10000x64xf32, #tpu.memory_space<hbm>>
        %dma_wait3A_289 = arith.constant 0 : i32
        %dma_wait3A_290 = arith.constant 0 : i32
        %dma_wait3A_291 = tpu.memref_slice %dma_wait3A_288[%dma_wait3A_289, %dma_wait3A_290] : memref<10000x64xf32, #tpu.memory_space<hbm>> -> memref<125x64xf32, #tpu.memory_space<hbm>>
        tpu.wait_dma2 semaphore(%arg21 : memref<!tpu.dma_semaphore, #tpu.memory_space<semaphore_mem>>) src(%dma_wait3A_291 : memref<125x64xf32, #tpu.memory_space<hbm>>) dst(%arg11 : memref<125x64xf32, #tpu.memory_space<vmem>>)
        %dma_start3A_292 = arith.constant 0 : i32
        %dma_start3A_293 = tpu.memref_slice %arg6[%add3A_272, %dma_start3A_292] : memref<160x125xi32, #tpu.memory_space<vmem>> -> memref<1x125xi32, #tpu.memory_space<vmem>>
        %dma_start3A_294 = tpu.memref_squeeze %dma_start3A_293 : memref<1x125xi32, #tpu.memory_space<vmem>> -> memref<125xi32, #tpu.memory_space<vmem>>
        %dma_start3A_295 = arith.constant 0 : i32
        %dma_start3A_296 = arith.constant 0 : i32
        %dma_start3A_297 = tpu.memref_slice %arg2[%arg0, %dma_start3A_295, %dma_start3A_296] : memref<2x10000x64xf32, #tpu.memory_space<hbm>> -> memref<1x10000x64xf32, #tpu.memory_space<hbm>>
        %dma_start3A_298 = tpu.memref_squeeze %dma_start3A_297 : memref<1x10000x64xf32, #tpu.memory_space<hbm>> -> memref<10000x64xf32, #tpu.memory_space<hbm>>
        %dma_start3A_299 = arith.constant 0 : i32
        %dma_start3A_300 = arith.constant 0 : i32
        %dma_start3A_301 = tpu.memref_slice %dma_start3A_298[%dma_start3A_299, %dma_start3A_300] : memref<10000x64xf32, #tpu.memory_space<hbm>> -> memref<10000x64xf32, #tpu.memory_space<hbm>>
        tpu.enqueue_indirect_dma source(%dma_start3A_301 : memref<10000x64xf32, #tpu.memory_space<hbm>>) target(%arg11 : memref<125x64xf32, #tpu.memory_space<vmem>>) offsets(%dma_start3A_294 : memref<125xi32, #tpu.memory_space<vmem>>) semaphore(%arg17 : memref<!tpu.dma_semaphore, #tpu.memory_space<semaphore_mem>>)
      } else {
      }
    }
    %scan3A_61 = arith.constant 40 : i32
    %dma_wait3A = arith.constant 0 : i32
    %dma_wait3A_62 = arith.constant 0 : i32
    %dma_wait3A_63 = tpu.memref_slice %arg2[%arg0, %dma_wait3A, %dma_wait3A_62] : memref<2x10000x64xf32, #tpu.memory_space<hbm>> -> memref<1x10000x64xf32, #tpu.memory_space<hbm>>
    %dma_wait3A_64 = tpu.memref_squeeze %dma_wait3A_63 : memref<1x10000x64xf32, #tpu.memory_space<hbm>> -> memref<10000x64xf32, #tpu.memory_space<hbm>>
    %dma_wait3A_65 = arith.constant 0 : i32
    %dma_wait3A_66 = arith.constant 0 : i32
    %dma_wait3A_67 = tpu.memref_slice %dma_wait3A_64[%dma_wait3A_65, %dma_wait3A_66] : memref<10000x64xf32, #tpu.memory_space<hbm>> -> memref<125x64xf32, #tpu.memory_space<hbm>>
    %dma_wait3A_68 = arith.constant 0 : i32
    %dma_wait3A_69 = arith.constant 0 : i32
    %dma_wait3A_70 = tpu.memref_slice %arg2[%arg0, %dma_wait3A_68, %dma_wait3A_69] : memref<2x10000x64xf32, #tpu.memory_space<hbm>> -> memref<1x10000x64xf32, #tpu.memory_space<hbm>>
    %dma_wait3A_71 = tpu.memref_squeeze %dma_wait3A_70 : memref<1x10000x64xf32, #tpu.memory_space<hbm>> -> memref<10000x64xf32, #tpu.memory_space<hbm>>
    %dma_wait3A_72 = arith.constant 0 : i32
    %dma_wait3A_73 = arith.constant 0 : i32
    %dma_wait3A_74 = tpu.memref_slice %dma_wait3A_71[%dma_wait3A_72, %dma_wait3A_73] : memref<10000x64xf32, #tpu.memory_space<hbm>> -> memref<125x64xf32, #tpu.memory_space<hbm>>
    tpu.wait_dma2 semaphore(%arg18 : memref<!tpu.dma_semaphore, #tpu.memory_space<semaphore_mem>>) src(%dma_wait3A_74 : memref<125x64xf32, #tpu.memory_space<hbm>>) dst(%arg8 : memref<125x64xf32, #tpu.memory_space<vmem>>)
    %dma_wait3A_75 = arith.constant 0 : i32
    %dma_wait3A_76 = arith.constant 0 : i32
    %dma_wait3A_77 = tpu.memref_slice %arg2[%arg0, %dma_wait3A_75, %dma_wait3A_76] : memref<2x10000x64xf32, #tpu.memory_space<hbm>> -> memref<1x10000x64xf32, #tpu.memory_space<hbm>>
    %dma_wait3A_78 = tpu.memref_squeeze %dma_wait3A_77 : memref<1x10000x64xf32, #tpu.memory_space<hbm>> -> memref<10000x64xf32, #tpu.memory_space<hbm>>
    %dma_wait3A_79 = arith.constant 0 : i32
    %dma_wait3A_80 = arith.constant 0 : i32
    %dma_wait3A_81 = tpu.memref_slice %dma_wait3A_78[%dma_wait3A_79, %dma_wait3A_80] : memref<10000x64xf32, #tpu.memory_space<hbm>> -> memref<125x64xf32, #tpu.memory_space<hbm>>
    %dma_wait3A_82 = arith.constant 0 : i32
    %dma_wait3A_83 = arith.constant 0 : i32
    %dma_wait3A_84 = tpu.memref_slice %arg2[%arg0, %dma_wait3A_82, %dma_wait3A_83] : memref<2x10000x64xf32, #tpu.memory_space<hbm>> -> memref<1x10000x64xf32, #tpu.memory_space<hbm>>
    %dma_wait3A_85 = tpu.memref_squeeze %dma_wait3A_84 : memref<1x10000x64xf32, #tpu.memory_space<hbm>> -> memref<10000x64xf32, #tpu.memory_space<hbm>>
    %dma_wait3A_86 = arith.constant 0 : i32
    %dma_wait3A_87 = arith.constant 0 : i32
    %dma_wait3A_88 = tpu.memref_slice %dma_wait3A_85[%dma_wait3A_86, %dma_wait3A_87] : memref<10000x64xf32, #tpu.memory_space<hbm>> -> memref<125x64xf32, #tpu.memory_space<hbm>>
    tpu.wait_dma2 semaphore(%arg19 : memref<!tpu.dma_semaphore, #tpu.memory_space<semaphore_mem>>) src(%dma_wait3A_88 : memref<125x64xf32, #tpu.memory_space<hbm>>) dst(%arg9 : memref<125x64xf32, #tpu.memory_space<vmem>>)
    %dma_wait3A_89 = arith.constant 0 : i32
    %dma_wait3A_90 = arith.constant 0 : i32
    %dma_wait3A_91 = tpu.memref_slice %arg2[%arg0, %dma_wait3A_89, %dma_wait3A_90] : memref<2x10000x64xf32, #tpu.memory_space<hbm>> -> memref<1x10000x64xf32, #tpu.memory_space<hbm>>
    %dma_wait3A_92 = tpu.memref_squeeze %dma_wait3A_91 : memref<1x10000x64xf32, #tpu.memory_space<hbm>> -> memref<10000x64xf32, #tpu.memory_space<hbm>>
    %dma_wait3A_93 = arith.constant 0 : i32
    %dma_wait3A_94 = arith.constant 0 : i32
    %dma_wait3A_95 = tpu.memref_slice %dma_wait3A_92[%dma_wait3A_93, %dma_wait3A_94] : memref<10000x64xf32, #tpu.memory_space<hbm>> -> memref<125x64xf32, #tpu.memory_space<hbm>>
    %dma_wait3A_96 = arith.constant 0 : i32
    %dma_wait3A_97 = arith.constant 0 : i32
    %dma_wait3A_98 = tpu.memref_slice %arg2[%arg0, %dma_wait3A_96, %dma_wait3A_97] : memref<2x10000x64xf32, #tpu.memory_space<hbm>> -> memref<1x10000x64xf32, #tpu.memory_space<hbm>>
    %dma_wait3A_99 = tpu.memref_squeeze %dma_wait3A_98 : memref<1x10000x64xf32, #tpu.memory_space<hbm>> -> memref<10000x64xf32, #tpu.memory_space<hbm>>
    %dma_wait3A_100 = arith.constant 0 : i32
    %dma_wait3A_101 = arith.constant 0 : i32
    %dma_wait3A_102 = tpu.memref_slice %dma_wait3A_99[%dma_wait3A_100, %dma_wait3A_101] : memref<10000x64xf32, #tpu.memory_space<hbm>> -> memref<125x64xf32, #tpu.memory_space<hbm>>
    tpu.wait_dma2 semaphore(%arg20 : memref<!tpu.dma_semaphore, #tpu.memory_space<semaphore_mem>>) src(%dma_wait3A_102 : memref<125x64xf32, #tpu.memory_space<hbm>>) dst(%arg10 : memref<125x64xf32, #tpu.memory_space<vmem>>)
    %dma_wait3A_103 = arith.constant 0 : i32
    %dma_wait3A_104 = arith.constant 0 : i32
    %dma_wait3A_105 = tpu.memref_slice %arg2[%arg0, %dma_wait3A_103, %dma_wait3A_104] : memref<2x10000x64xf32, #tpu.memory_space<hbm>> -> memref<1x10000x64xf32, #tpu.memory_space<hbm>>
    %dma_wait3A_106 = tpu.memref_squeeze %dma_wait3A_105 : memref<1x10000x64xf32, #tpu.memory_space<hbm>> -> memref<10000x64xf32, #tpu.memory_space<hbm>>
    %dma_wait3A_107 = arith.constant 0 : i32
    %dma_wait3A_108 = arith.constant 0 : i32
    %dma_wait3A_109 = tpu.memref_slice %dma_wait3A_106[%dma_wait3A_107, %dma_wait3A_108] : memref<10000x64xf32, #tpu.memory_space<hbm>> -> memref<125x64xf32, #tpu.memory_space<hbm>>
    %dma_wait3A_110 = arith.constant 0 : i32
    %dma_wait3A_111 = arith.constant 0 : i32
    %dma_wait3A_112 = tpu.memref_slice %arg2[%arg0, %dma_wait3A_110, %dma_wait3A_111] : memref<2x10000x64xf32, #tpu.memory_space<hbm>> -> memref<1x10000x64xf32, #tpu.memory_space<hbm>>
    %dma_wait3A_113 = tpu.memref_squeeze %dma_wait3A_112 : memref<1x10000x64xf32, #tpu.memory_space<hbm>> -> memref<10000x64xf32, #tpu.memory_space<hbm>>
    %dma_wait3A_114 = arith.constant 0 : i32
    %dma_wait3A_115 = arith.constant 0 : i32
    %dma_wait3A_116 = tpu.memref_slice %dma_wait3A_113[%dma_wait3A_114, %dma_wait3A_115] : memref<10000x64xf32, #tpu.memory_space<hbm>> -> memref<125x64xf32, #tpu.memory_space<hbm>>
    tpu.wait_dma2 semaphore(%arg21 : memref<!tpu.dma_semaphore, #tpu.memory_space<semaphore_mem>>) src(%dma_wait3A_116 : memref<125x64xf32, #tpu.memory_space<hbm>>) dst(%arg11 : memref<125x64xf32, #tpu.memory_space<vmem>>)
    %barrier3A_117 = arith.constant 0 : index
    tpu.barrier barrier_id(%barrier3A_117)
    %mul3A_118 = arith.constant 624 : i32
    %mul3A_119 = arith.muli %arg1, %mul3A_118 : i32
    %multiple_of3A_120 = tpu.assume_multiple %mul3A_119, 8 : i32
    %add3A_121 = arith.constant 0 : i32
    %add3A_122 = arith.addi %multiple_of3A_120, %add3A_121 : i32
    "tpu.region"() ({
      %run_scoped3A = tpu.sem_alloc : memref<!tpu.dma_semaphore, #tpu.memory_space<semaphore_mem>>
      %dma_start3A_138 = arith.constant 0 : i32
      %dma_start3A_139 = tpu.memref_slice %arg13[%add3A_122, %dma_start3A_138] : memref<10000x64xf32, #tpu.memory_space<vmem_shared>> -> memref<208x64xf32, #tpu.memory_space<vmem_shared>>
      %dma_start3A_140 = arith.constant 0 : i32
      %dma_start3A_141 = tpu.memref_slice %arg13[%add3A_122, %dma_start3A_140] : memref<10000x64xf32, #tpu.memory_space<vmem_shared>> -> memref<208x64xf32, #tpu.memory_space<vmem_shared>>
      tpu.enqueue_dma source(%dma_start3A_141 : memref<208x64xf32, #tpu.memory_space<vmem_shared>>) target(%arg12 : memref<208x64xf32, #tpu.memory_space<vmem>>) target_semaphore(%run_scoped3A : memref<!tpu.dma_semaphore, #tpu.memory_space<semaphore_mem>>)
      %dma_wait3A_142 = arith.constant 0 : i32
      %dma_wait3A_143 = tpu.memref_slice %arg13[%add3A_122, %dma_wait3A_142] : memref<10000x64xf32, #tpu.memory_space<vmem_shared>> -> memref<208x64xf32, #tpu.memory_space<vmem_shared>>
      %dma_wait3A_144 = arith.constant 0 : i32
      %dma_wait3A_145 = tpu.memref_slice %arg13[%add3A_122, %dma_wait3A_144] : memref<10000x64xf32, #tpu.memory_space<vmem_shared>> -> memref<208x64xf32, #tpu.memory_space<vmem_shared>>
      tpu.wait_dma2 semaphore(%run_scoped3A : memref<!tpu.dma_semaphore, #tpu.memory_space<semaphore_mem>>) src(%dma_wait3A_145 : memref<208x64xf32, #tpu.memory_space<vmem_shared>>) dst(%arg12 : memref<208x64xf32, #tpu.memory_space<vmem>>)
      tpu.yield
    }) : () -> ()
    "tpu.region"() ({
      %run_scoped3A = tpu.sem_alloc : memref<!tpu.dma_semaphore, #tpu.memory_space<semaphore_mem>>
      %dma_start3A_138 = arith.constant 0 : i32
      %dma_start3A_139 = tpu.memref_slice %arg5[%arg0, %add3A_122, %dma_start3A_138] : memref<2x10000x64xf32, #tpu.memory_space<hbm>> -> memref<1x208x64xf32, #tpu.memory_space<hbm>>
      %dma_start3A_140 = tpu.memref_squeeze %dma_start3A_139 : memref<1x208x64xf32, #tpu.memory_space<hbm>> -> memref<208x64xf32, #tpu.memory_space<hbm>>
      %dma_start3A_141 = arith.constant 0 : i32
      %dma_start3A_142 = tpu.memref_slice %arg5[%arg0, %add3A_122, %dma_start3A_141] : memref<2x10000x64xf32, #tpu.memory_space<hbm>> -> memref<1x208x64xf32, #tpu.memory_space<hbm>>
      %dma_start3A_143 = tpu.memref_squeeze %dma_start3A_142 : memref<1x208x64xf32, #tpu.memory_space<hbm>> -> memref<208x64xf32, #tpu.memory_space<hbm>>
      tpu.enqueue_dma source(%arg12 : memref<208x64xf32, #tpu.memory_space<vmem>>) target(%dma_start3A_143 : memref<208x64xf32, #tpu.memory_space<hbm>>) target_semaphore(%run_scoped3A : memref<!tpu.dma_semaphore, #tpu.memory_space<semaphore_mem>>)
      %dma_wait3A_144 = arith.constant 0 : i32
      %dma_wait3A_145 = tpu.memref_slice %arg5[%arg0, %add3A_122, %dma_wait3A_144] : memref<2x10000x64xf32, #tpu.memory_space<hbm>> -> memref<1x208x64xf32, #tpu.memory_space<hbm>>
      %dma_wait3A_146 = tpu.memref_squeeze %dma_wait3A_145 : memref<1x208x64xf32, #tpu.memory_space<hbm>> -> memref<208x64xf32, #tpu.memory_space<hbm>>
      %dma_wait3A_147 = arith.constant 0 : i32
      %dma_wait3A_148 = tpu.memref_slice %arg5[%arg0, %add3A_122, %dma_wait3A_147] : memref<2x10000x64xf32, #tpu.memory_space<hbm>> -> memref<1x208x64xf32, #tpu.memory_space<hbm>>
      %dma_wait3A_149 = tpu.memref_squeeze %dma_wait3A_148 : memref<1x208x64xf32, #tpu.memory_space<hbm>> -> memref<208x64xf32, #tpu.memory_space<hbm>>
      tpu.wait_dma2 semaphore(%run_scoped3A : memref<!tpu.dma_semaphore, #tpu.memory_space<semaphore_mem>>) src(%arg12 : memref<208x64xf32, #tpu.memory_space<vmem>>) dst(%dma_wait3A_149 : memref<208x64xf32, #tpu.memory_space<hbm>>)
      tpu.yield
    }) : () -> ()
    %mul3A_123 = arith.constant 624 : i32
    %mul3A_124 = arith.muli %arg1, %mul3A_123 : i32
    %multiple_of3A_125 = tpu.assume_multiple %mul3A_124, 8 : i32
    %add3A_126 = arith.constant 208 : i32
    %add3A_127 = arith.addi %multiple_of3A_125, %add3A_126 : i32
    "tpu.region"() ({
      %run_scoped3A = tpu.sem_alloc : memref<!tpu.dma_semaphore, #tpu.memory_space<semaphore_mem>>
      %dma_start3A_138 = arith.constant 0 : i32
      %dma_start3A_139 = tpu.memref_slice %arg13[%add3A_127, %dma_start3A_138] : memref<10000x64xf32, #tpu.memory_space<vmem_shared>> -> memref<208x64xf32, #tpu.memory_space<vmem_shared>>
      %dma_start3A_140 = arith.constant 0 : i32
      %dma_start3A_141 = tpu.memref_slice %arg13[%add3A_127, %dma_start3A_140] : memref<10000x64xf32, #tpu.memory_space<vmem_shared>> -> memref<208x64xf32, #tpu.memory_space<vmem_shared>>
      tpu.enqueue_dma source(%dma_start3A_141 : memref<208x64xf32, #tpu.memory_space<vmem_shared>>) target(%arg12 : memref<208x64xf32, #tpu.memory_space<vmem>>) target_semaphore(%run_scoped3A : memref<!tpu.dma_semaphore, #tpu.memory_space<semaphore_mem>>)
      %dma_wait3A_142 = arith.constant 0 : i32
      %dma_wait3A_143 = tpu.memref_slice %arg13[%add3A_127, %dma_wait3A_142] : memref<10000x64xf32, #tpu.memory_space<vmem_shared>> -> memref<208x64xf32, #tpu.memory_space<vmem_shared>>
      %dma_wait3A_144 = arith.constant 0 : i32
      %dma_wait3A_145 = tpu.memref_slice %arg13[%add3A_127, %dma_wait3A_144] : memref<10000x64xf32, #tpu.memory_space<vmem_shared>> -> memref<208x64xf32, #tpu.memory_space<vmem_shared>>
      tpu.wait_dma2 semaphore(%run_scoped3A : memref<!tpu.dma_semaphore, #tpu.memory_space<semaphore_mem>>) src(%dma_wait3A_145 : memref<208x64xf32, #tpu.memory_space<vmem_shared>>) dst(%arg12 : memref<208x64xf32, #tpu.memory_space<vmem>>)
      tpu.yield
    }) : () -> ()
    "tpu.region"() ({
      %run_scoped3A = tpu.sem_alloc : memref<!tpu.dma_semaphore, #tpu.memory_space<semaphore_mem>>
      %dma_start3A_138 = arith.constant 0 : i32
      %dma_start3A_139 = tpu.memref_slice %arg5[%arg0, %add3A_127, %dma_start3A_138] : memref<2x10000x64xf32, #tpu.memory_space<hbm>> -> memref<1x208x64xf32, #tpu.memory_space<hbm>>
      %dma_start3A_140 = tpu.memref_squeeze %dma_start3A_139 : memref<1x208x64xf32, #tpu.memory_space<hbm>> -> memref<208x64xf32, #tpu.memory_space<hbm>>
      %dma_start3A_141 = arith.constant 0 : i32
      %dma_start3A_142 = tpu.memref_slice %arg5[%arg0, %add3A_127, %dma_start3A_141] : memref<2x10000x64xf32, #tpu.memory_space<hbm>> -> memref<1x208x64xf32, #tpu.memory_space<hbm>>
      %dma_start3A_143 = tpu.memref_squeeze %dma_start3A_142 : memref<1x208x64xf32, #tpu.memory_space<hbm>> -> memref<208x64xf32, #tpu.memory_space<hbm>>
      tpu.enqueue_dma source(%arg12 : memref<208x64xf32, #tpu.memory_space<vmem>>) target(%dma_start3A_143 : memref<208x64xf32, #tpu.memory_space<hbm>>) target_semaphore(%run_scoped3A : memref<!tpu.dma_semaphore, #tpu.memory_space<semaphore_mem>>)
      %dma_wait3A_144 = arith.constant 0 : i32
      %dma_wait3A_145 = tpu.memref_slice %arg5[%arg0, %add3A_127, %dma_wait3A_144] : memref<2x10000x64xf32, #tpu.memory_space<hbm>> -> memref<1x208x64xf32, #tpu.memory_space<hbm>>
      %dma_wait3A_146 = tpu.memref_squeeze %dma_wait3A_145 : memref<1x208x64xf32, #tpu.memory_space<hbm>> -> memref<208x64xf32, #tpu.memory_space<hbm>>
      %dma_wait3A_147 = arith.constant 0 : i32
      %dma_wait3A_148 = tpu.memref_slice %arg5[%arg0, %add3A_127, %dma_wait3A_147] : memref<2x10000x64xf32, #tpu.memory_space<hbm>> -> memref<1x208x64xf32, #tpu.memory_space<hbm>>
      %dma_wait3A_149 = tpu.memref_squeeze %dma_wait3A_148 : memref<1x208x64xf32, #tpu.memory_space<hbm>> -> memref<208x64xf32, #tpu.memory_space<hbm>>
      tpu.wait_dma2 semaphore(%run_scoped3A : memref<!tpu.dma_semaphore, #tpu.memory_space<semaphore_mem>>) src(%arg12 : memref<208x64xf32, #tpu.memory_space<vmem>>) dst(%dma_wait3A_149 : memref<208x64xf32, #tpu.memory_space<hbm>>)
      tpu.yield
    }) : () -> ()
    %mul3A_128 = arith.constant 624 : i32
    %mul3A_129 = arith.muli %arg1, %mul3A_128 : i32
    %multiple_of3A_130 = tpu.assume_multiple %mul3A_129, 8 : i32
    %add3A_131 = arith.constant 416 : i32
    %add3A_132 = arith.addi %multiple_of3A_130, %add3A_131 : i32
    "tpu.region"() ({
      %run_scoped3A = tpu.sem_alloc : memref<!tpu.dma_semaphore, #tpu.memory_space<semaphore_mem>>
      %dma_start3A_138 = arith.constant 0 : i32
      %dma_start3A_139 = tpu.memref_slice %arg13[%add3A_132, %dma_start3A_138] : memref<10000x64xf32, #tpu.memory_space<vmem_shared>> -> memref<208x64xf32, #tpu.memory_space<vmem_shared>>
      %dma_start3A_140 = arith.constant 0 : i32
      %dma_start3A_141 = tpu.memref_slice %arg13[%add3A_132, %dma_start3A_140] : memref<10000x64xf32, #tpu.memory_space<vmem_shared>> -> memref<208x64xf32, #tpu.memory_space<vmem_shared>>
      tpu.enqueue_dma source(%dma_start3A_141 : memref<208x64xf32, #tpu.memory_space<vmem_shared>>) target(%arg12 : memref<208x64xf32, #tpu.memory_space<vmem>>) target_semaphore(%run_scoped3A : memref<!tpu.dma_semaphore, #tpu.memory_space<semaphore_mem>>)
      %dma_wait3A_142 = arith.constant 0 : i32
      %dma_wait3A_143 = tpu.memref_slice %arg13[%add3A_132, %dma_wait3A_142] : memref<10000x64xf32, #tpu.memory_space<vmem_shared>> -> memref<208x64xf32, #tpu.memory_space<vmem_shared>>
      %dma_wait3A_144 = arith.constant 0 : i32
      %dma_wait3A_145 = tpu.memref_slice %arg13[%add3A_132, %dma_wait3A_144] : memref<10000x64xf32, #tpu.memory_space<vmem_shared>> -> memref<208x64xf32, #tpu.memory_space<vmem_shared>>
      tpu.wait_dma2 semaphore(%run_scoped3A : memref<!tpu.dma_semaphore, #tpu.memory_space<semaphore_mem>>) src(%dma_wait3A_145 : memref<208x64xf32, #tpu.memory_space<vmem_shared>>) dst(%arg12 : memref<208x64xf32, #tpu.memory_space<vmem>>)
      tpu.yield
    }) : () -> ()
    "tpu.region"() ({
      %run_scoped3A = tpu.sem_alloc : memref<!tpu.dma_semaphore, #tpu.memory_space<semaphore_mem>>
      %dma_start3A_138 = arith.constant 0 : i32
      %dma_start3A_139 = tpu.memref_slice %arg5[%arg0, %add3A_132, %dma_start3A_138] : memref<2x10000x64xf32, #tpu.memory_space<hbm>> -> memref<1x208x64xf32, #tpu.memory_space<hbm>>
      %dma_start3A_140 = tpu.memref_squeeze %dma_start3A_139 : memref<1x208x64xf32, #tpu.memory_space<hbm>> -> memref<208x64xf32, #tpu.memory_space<hbm>>
      %dma_start3A_141 = arith.constant 0 : i32
      %dma_start3A_142 = tpu.memref_slice %arg5[%arg0, %add3A_132, %dma_start3A_141] : memref<2x10000x64xf32, #tpu.memory_space<hbm>> -> memref<1x208x64xf32, #tpu.memory_space<hbm>>
      %dma_start3A_143 = tpu.memref_squeeze %dma_start3A_142 : memref<1x208x64xf32, #tpu.memory_space<hbm>> -> memref<208x64xf32, #tpu.memory_space<hbm>>
      tpu.enqueue_dma source(%arg12 : memref<208x64xf32, #tpu.memory_space<vmem>>) target(%dma_start3A_143 : memref<208x64xf32, #tpu.memory_space<hbm>>) target_semaphore(%run_scoped3A : memref<!tpu.dma_semaphore, #tpu.memory_space<semaphore_mem>>)
      %dma_wait3A_144 = arith.constant 0 : i32
      %dma_wait3A_145 = tpu.memref_slice %arg5[%arg0, %add3A_132, %dma_wait3A_144] : memref<2x10000x64xf32, #tpu.memory_space<hbm>> -> memref<1x208x64xf32, #tpu.memory_space<hbm>>
      %dma_wait3A_146 = tpu.memref_squeeze %dma_wait3A_145 : memref<1x208x64xf32, #tpu.memory_space<hbm>> -> memref<208x64xf32, #tpu.memory_space<hbm>>
      %dma_wait3A_147 = arith.constant 0 : i32
      %dma_wait3A_148 = tpu.memref_slice %arg5[%arg0, %add3A_132, %dma_wait3A_147] : memref<2x10000x64xf32, #tpu.memory_space<hbm>> -> memref<1x208x64xf32, #tpu.memory_space<hbm>>
      %dma_wait3A_149 = tpu.memref_squeeze %dma_wait3A_148 : memref<1x208x64xf32, #tpu.memory_space<hbm>> -> memref<208x64xf32, #tpu.memory_space<hbm>>
      tpu.wait_dma2 semaphore(%run_scoped3A : memref<!tpu.dma_semaphore, #tpu.memory_space<semaphore_mem>>) src(%arg12 : memref<208x64xf32, #tpu.memory_space<vmem>>) dst(%dma_wait3A_149 : memref<208x64xf32, #tpu.memory_space<hbm>>)
      tpu.yield
    }) : () -> ()
    %eq3A_133 = arith.constant 15 : i32
    %eq3A_134 = arith.cmpi eq, %arg1, %eq3A_133 : i32
    %convert_element_type3A_135 = arith.extui %eq3A_134 : i1 to i32
    %cond3A_136 = arith.constant 0 : i32
    %cond3A_137 = arith.cmpi ne, %convert_element_type3A_135, %cond3A_136 : i32
    scf.if %cond3A_137 {
      "tpu.region"() ({
        %run_scoped3A = tpu.sem_alloc : memref<!tpu.dma_semaphore, #tpu.memory_space<semaphore_mem>>
        %dma_start3A_138 = arith.constant 0 : i32
        %dma_start3A_139 = arith.constant 0 : i32
        %dma_start3A_140 = tpu.memref_slice %arg12[%dma_start3A_138, %dma_start3A_139] : memref<208x64xf32, #tpu.memory_space<vmem>> -> memref<16x64xf32, #tpu.memory_space<vmem>>
        %dma_start3A_141 = arith.constant 9984 : i32
        %dma_start3A_142 = arith.constant 0 : i32
        %dma_start3A_143 = tpu.memref_slice %arg13[%dma_start3A_141, %dma_start3A_142] : memref<10000x64xf32, #tpu.memory_space<vmem_shared>> -> memref<16x64xf32, #tpu.memory_space<vmem_shared>>
        %dma_start3A_144 = arith.constant 0 : i32
        %dma_start3A_145 = arith.constant 0 : i32
        %dma_start3A_146 = tpu.memref_slice %arg12[%dma_start3A_144, %dma_start3A_145] : memref<208x64xf32, #tpu.memory_space<vmem>> -> memref<16x64xf32, #tpu.memory_space<vmem>>
        %dma_start3A_147 = arith.constant 9984 : i32
        %dma_start3A_148 = arith.constant 0 : i32
        %dma_start3A_149 = tpu.memref_slice %arg13[%dma_start3A_147, %dma_start3A_148] : memref<10000x64xf32, #tpu.memory_space<vmem_shared>> -> memref<16x64xf32, #tpu.memory_space<vmem_shared>>
        tpu.enqueue_dma source(%dma_start3A_149 : memref<16x64xf32, #tpu.memory_space<vmem_shared>>) target(%dma_start3A_146 : memref<16x64xf32, #tpu.memory_space<vmem>>) target_semaphore(%run_scoped3A : memref<!tpu.dma_semaphore, #tpu.memory_space<semaphore_mem>>)
        %dma_wait3A_150 = arith.constant 0 : i32
        %dma_wait3A_151 = arith.constant 0 : i32
        %dma_wait3A_152 = tpu.memref_slice %arg12[%dma_wait3A_150, %dma_wait3A_151] : memref<208x64xf32, #tpu.memory_space<vmem>> -> memref<16x64xf32, #tpu.memory_space<vmem>>
        %dma_wait3A_153 = arith.constant 9984 : i32
        %dma_wait3A_154 = arith.constant 0 : i32
        %dma_wait3A_155 = tpu.memref_slice %arg13[%dma_wait3A_153, %dma_wait3A_154] : memref<10000x64xf32, #tpu.memory_space<vmem_shared>> -> memref<16x64xf32, #tpu.memory_space<vmem_shared>>
        %dma_wait3A_156 = arith.constant 0 : i32
        %dma_wait3A_157 = arith.constant 0 : i32
        %dma_wait3A_158 = tpu.memref_slice %arg12[%dma_wait3A_156, %dma_wait3A_157] : memref<208x64xf32, #tpu.memory_space<vmem>> -> memref<16x64xf32, #tpu.memory_space<vmem>>
        %dma_wait3A_159 = arith.constant 9984 : i32
        %dma_wait3A_160 = arith.constant 0 : i32
        %dma_wait3A_161 = tpu.memref_slice %arg13[%dma_wait3A_159, %dma_wait3A_160] : memref<10000x64xf32, #tpu.memory_space<vmem_shared>> -> memref<16x64xf32, #tpu.memory_space<vmem_shared>>
        tpu.wait_dma2 semaphore(%run_scoped3A : memref<!tpu.dma_semaphore, #tpu.memory_space<semaphore_mem>>) src(%dma_wait3A_161 : memref<16x64xf32, #tpu.memory_space<vmem_shared>>) dst(%dma_wait3A_158 : memref<16x64xf32, #tpu.memory_space<vmem>>)
        tpu.yield
      }) : () -> ()
      "tpu.region"() ({
        %run_scoped3A = tpu.sem_alloc : memref<!tpu.dma_semaphore, #tpu.memory_space<semaphore_mem>>
        %dma_start3A_138 = arith.constant 0 : i32
        %dma_start3A_139 = arith.constant 0 : i32
        %dma_start3A_140 = tpu.memref_slice %arg12[%dma_start3A_138, %dma_start3A_139] : memref<208x64xf32, #tpu.memory_space<vmem>> -> memref<16x64xf32, #tpu.memory_space<vmem>>
        %dma_start3A_141 = arith.constant 9984 : i32
        %dma_start3A_142 = arith.constant 0 : i32
        %dma_start3A_143 = tpu.memref_slice %arg5[%arg0, %dma_start3A_141, %dma_start3A_142] : memref<2x10000x64xf32, #tpu.memory_space<hbm>> -> memref<1x16x64xf32, #tpu.memory_space<hbm>>
        %dma_start3A_144 = tpu.memref_squeeze %dma_start3A_143 : memref<1x16x64xf32, #tpu.memory_space<hbm>> -> memref<16x64xf32, #tpu.memory_space<hbm>>
        %dma_start3A_145 = arith.constant 9984 : i32
        %dma_start3A_146 = arith.constant 0 : i32
        %dma_start3A_147 = tpu.memref_slice %arg5[%arg0, %dma_start3A_145, %dma_start3A_146] : memref<2x10000x64xf32, #tpu.memory_space<hbm>> -> memref<1x16x64xf32, #tpu.memory_space<hbm>>
        %dma_start3A_148 = tpu.memref_squeeze %dma_start3A_147 : memref<1x16x64xf32, #tpu.memory_space<hbm>> -> memref<16x64xf32, #tpu.memory_space<hbm>>
        %dma_start3A_149 = arith.constant 0 : i32
        %dma_start3A_150 = arith.constant 0 : i32
        %dma_start3A_151 = tpu.memref_slice %arg12[%dma_start3A_149, %dma_start3A_150] : memref<208x64xf32, #tpu.memory_space<vmem>> -> memref<16x64xf32, #tpu.memory_space<vmem>>
        tpu.enqueue_dma source(%dma_start3A_151 : memref<16x64xf32, #tpu.memory_space<vmem>>) target(%dma_start3A_148 : memref<16x64xf32, #tpu.memory_space<hbm>>) target_semaphore(%run_scoped3A : memref<!tpu.dma_semaphore, #tpu.memory_space<semaphore_mem>>)
        %dma_wait3A_152 = arith.constant 0 : i32
        %dma_wait3A_153 = arith.constant 0 : i32
        %dma_wait3A_154 = tpu.memref_slice %arg12[%dma_wait3A_152, %dma_wait3A_153] : memref<208x64xf32, #tpu.memory_space<vmem>> -> memref<16x64xf32, #tpu.memory_space<vmem>>
        %dma_wait3A_155 = arith.constant 9984 : i32
        %dma_wait3A_156 = arith.constant 0 : i32
        %dma_wait3A_157 = tpu.memref_slice %arg5[%arg0, %dma_wait3A_155, %dma_wait3A_156] : memref<2x10000x64xf32, #tpu.memory_space<hbm>> -> memref<1x16x64xf32, #tpu.memory_space<hbm>>
        %dma_wait3A_158 = tpu.memref_squeeze %dma_wait3A_157 : memref<1x16x64xf32, #tpu.memory_space<hbm>> -> memref<16x64xf32, #tpu.memory_space<hbm>>
        %dma_wait3A_159 = arith.constant 9984 : i32
        %dma_wait3A_160 = arith.constant 0 : i32
        %dma_wait3A_161 = tpu.memref_slice %arg5[%arg0, %dma_wait3A_159, %dma_wait3A_160] : memref<2x10000x64xf32, #tpu.memory_space<hbm>> -> memref<1x16x64xf32, #tpu.memory_space<hbm>>
        %dma_wait3A_162 = tpu.memref_squeeze %dma_wait3A_161 : memref<1x16x64xf32, #tpu.memory_space<hbm>> -> memref<16x64xf32, #tpu.memory_space<hbm>>
        %dma_wait3A_163 = arith.constant 0 : i32
        %dma_wait3A_164 = arith.constant 0 : i32
        %dma_wait3A_165 = tpu.memref_slice %arg12[%dma_wait3A_163, %dma_wait3A_164] : memref<208x64xf32, #tpu.memory_space<vmem>> -> memref<16x64xf32, #tpu.memory_space<vmem>>
        tpu.wait_dma2 semaphore(%run_scoped3A : memref<!tpu.dma_semaphore, #tpu.memory_space<semaphore_mem>>) src(%dma_wait3A_165 : memref<16x64xf32, #tpu.memory_space<vmem>>) dst(%dma_wait3A_162 : memref<16x64xf32, #tpu.memory_space<hbm>>)
        tpu.yield
      }) : () -> ()
    } else {
    }
    return
  }
}

module attributes {stable_mosaic.version = 14 : i64} {
  func.func @_xs_body(%arg0: i32, %arg1: memref<2x5000x1xf32, #tpu.memory_space<vmem>>, %arg2: memref<5000x128xf32, #tpu.memory_space<vmem>>, %arg3: memref<2x5000x64xf32, #tpu.memory_space<vmem>>) attributes {dimension_semantics = [#tpu.dimension_semantics<arbitrary>], iteration_bounds = array<i64: 2>, scalar_prefetch = 0 : i64, scratch_operands = 0 : i64, tpu.core_type = #tpu.core_type<tc>, window_params = [{transform_indices = @transform_0, window_bounds = array<i64: 2, 5000, 1>}, {transform_indices = @transform_1, window_bounds = array<i64: 5000, 128>}, {transform_indices = @transform_2, window_bounds = array<i64: 2, 5000, 64>}]} {
    %get3A = arith.constant 0 : index
    %get3A_0 = arith.constant 0 : index
    %get3A_1 = vector.load %arg2[%get3A, %get3A_0] : memref<5000x128xf32, #tpu.memory_space<vmem>>, vector<5000x128xf32>
    %get3A_2 = arith.constant 0 : index
    %get3A_3 = arith.constant 0 : index
    %get3A_4 = arith.constant 0 : index
    %get3A_5 = vector.load %arg1[%get3A_2, %get3A_3, %get3A_4] : memref<2x5000x1xf32, #tpu.memory_space<vmem>>, vector<1x5000x1xf32>
    %get3A_6 = vector.shape_cast %get3A_5 : vector<1x5000x1xf32> to vector<5000x1xf32>
    %get3A_7 = arith.constant 1 : index
    %get3A_8 = arith.constant 0 : index
    %get3A_9 = arith.constant 0 : index
    %get3A_10 = vector.load %arg1[%get3A_7, %get3A_8, %get3A_9] : memref<2x5000x1xf32, #tpu.memory_space<vmem>>, vector<1x5000x1xf32>
    %get3A_11 = vector.shape_cast %get3A_10 : vector<1x5000x1xf32> to vector<5000x1xf32>
    %add3A = arith.addf %get3A_6, %get3A_11 : vector<5000x1xf32>
    %gt3A = arith.constant 0.000000e+00 : f32
    %gt3A_12 = vector.broadcast %gt3A : f32 to vector<5000x1xf32>
    %gt3A_13 = arith.cmpf ogt, %add3A, %gt3A_12 : vector<5000x1xf32>
    %max3A = arith.constant 9.99999996E-13 : f32
    %max3A_14 = vector.broadcast %max3A : f32 to vector<5000x1xf32>
    %max3A_15 = arith.maximumf %add3A, %max3A_14 : vector<5000x1xf32>
    %rsqrt3A = math.rsqrt %max3A_15 : vector<5000x1xf32>
    %jit3A = arith.constant 0.000000e+00 : f32
    %broadcast_in_dim3A = vector.broadcast %jit3A : f32 to vector<5000x1xf32>
    %select_n3A = arith.select %gt3A_13, %rsqrt3A, %broadcast_in_dim3A : vector<5000x1xi1>, vector<5000x1xf32>
    %mul3A = vector.broadcast %select_n3A : vector<5000x1xf32> to vector<5000x128xf32>
    %mul3A_16 = arith.mulf %get3A_1, %mul3A : vector<5000x128xf32>
    %slice3A = vector.extract_strided_slice %mul3A_16 {offsets = [0, 0], sizes = [5000, 64], strides = [1, 1]} : vector<5000x128xf32> to vector<5000x64xf32>
    %swap3A = arith.constant 0 : index
    %swap3A_17 = arith.constant 0 : index
    %swap3A_18 = arith.constant 0 : index
    %swap3A_19 = vector.load %arg3[%swap3A, %swap3A_17, %swap3A_18] : memref<2x5000x64xf32, #tpu.memory_space<vmem>>, vector<1x5000x64xf32>
    %swap3A_20 = vector.shape_cast %swap3A_19 : vector<1x5000x64xf32> to vector<5000x64xf32>
    %swap3A_21 = vector.shape_cast %slice3A : vector<5000x64xf32> to vector<1x5000x64xf32>
    tpu.vector_store %arg3[%swap3A, %swap3A_17, %swap3A_18], %swap3A_21 {strides = array<i32>} : memref<2x5000x64xf32, #tpu.memory_space<vmem>>, vector<1x5000x64xf32>,
    %slice3A_22 = vector.extract_strided_slice %mul3A_16 {offsets = [0, 64], sizes = [5000, 64], strides = [1, 1]} : vector<5000x128xf32> to vector<5000x64xf32>
    %swap3A_23 = arith.constant 1 : index
    %swap3A_24 = arith.constant 0 : index
    %swap3A_25 = arith.constant 0 : index
    %swap3A_26 = vector.load %arg3[%swap3A_23, %swap3A_24, %swap3A_25] : memref<2x5000x64xf32, #tpu.memory_space<vmem>>, vector<1x5000x64xf32>
    %swap3A_27 = vector.shape_cast %swap3A_26 : vector<1x5000x64xf32> to vector<5000x64xf32>
    %swap3A_28 = vector.shape_cast %slice3A_22 : vector<5000x64xf32> to vector<1x5000x64xf32>
    tpu.vector_store %arg3[%swap3A_23, %swap3A_24, %swap3A_25], %swap3A_28 {strides = array<i32>} : memref<2x5000x64xf32, #tpu.memory_space<vmem>>, vector<1x5000x64xf32>,
    return
  }
  func.func @transform_0(%arg0: i32) -> (i32, i32, i32) {
    %c0_i32 = arith.constant 0 : i32
    %c0_i32_0 = arith.constant 0 : i32
    %c0_i32_1 = arith.constant 0 : i32
    return %c0_i32, %arg0, %c0_i32_0 : i32, i32, i32
  }
  func.func @transform_1(%arg0: i32) -> (i32, i32) {
    %c0_i32 = arith.constant 0 : i32
    %c0_i32_0 = arith.constant 0 : i32
    return %arg0, %c0_i32 : i32, i32
  }
  func.func @transform_2(%arg0: i32) -> (i32, i32, i32) {
    %c0_i32 = arith.constant 0 : i32
    %c0_i32_0 = arith.constant 0 : i32
    %c0_i32_1 = arith.constant 0 : i32
    return %c0_i32, %arg0, %c0_i32_0 : i32, i32, i32
  }
}

module attributes {stable_mosaic.version = 14 : i64} {
  func.func @_dense_body(%arg0: i32, %arg1: memref<2x5000x64xf32, #tpu.memory_space<vmem>>, %arg2: memref<2x5000x1xf32, #tpu.memory_space<vmem>>, %arg3: memref<5000x128xf32, #tpu.memory_space<vmem>>, %arg4: memref<128x128xf32, #tpu.memory_space<vmem>>, %arg5: memref<1x128xf32, #tpu.memory_space<vmem>>, %arg6: memref<128x128xf32, #tpu.memory_space<vmem>>, %arg7: memref<1x128xf32, #tpu.memory_space<vmem>>, %arg8: memref<5000x128xf32, #tpu.memory_space<vmem>>) attributes {dimension_semantics = [#tpu.dimension_semantics<arbitrary>], iteration_bounds = array<i64: 2>, scalar_prefetch = 0 : i64, scratch_operands = 0 : i64, tpu.core_type = #tpu.core_type<tc>, window_params = [{transform_indices = @transform_0, window_bounds = array<i64: 2, 5000, 64>}, {transform_indices = @transform_1, window_bounds = array<i64: 2, 5000, 1>}, {transform_indices = @transform_2, window_bounds = array<i64: 5000, 128>}, {pipeline_mode = #tpu.pipeline_mode<synchronous>, transform_indices = @transform_3, window_bounds = array<i64: 128, 128>}, {pipeline_mode = #tpu.pipeline_mode<synchronous>, transform_indices = @transform_4, window_bounds = array<i64: 1, 128>}, {pipeline_mode = #tpu.pipeline_mode<synchronous>, transform_indices = @transform_5, window_bounds = array<i64: 128, 128>}, {pipeline_mode = #tpu.pipeline_mode<synchronous>, transform_indices = @transform_6, window_bounds = array<i64: 1, 128>}, {transform_indices = @transform_7, window_bounds = array<i64: 5000, 128>}]} {
    %get3A = arith.constant 0 : index
    %get3A_0 = arith.constant 0 : index
    %get3A_1 = arith.constant 0 : index
    %get3A_2 = vector.load %arg2[%get3A, %get3A_0, %get3A_1] : memref<2x5000x1xf32, #tpu.memory_space<vmem>>, vector<1x5000x1xf32>
    %get3A_3 = vector.shape_cast %get3A_2 : vector<1x5000x1xf32> to vector<5000x1xf32>
    %get3A_4 = arith.constant 1 : index
    %get3A_5 = arith.constant 0 : index
    %get3A_6 = arith.constant 0 : index
    %get3A_7 = vector.load %arg2[%get3A_4, %get3A_5, %get3A_6] : memref<2x5000x1xf32, #tpu.memory_space<vmem>>, vector<1x5000x1xf32>
    %get3A_8 = vector.shape_cast %get3A_7 : vector<1x5000x1xf32> to vector<5000x1xf32>
    %add3A = arith.addf %get3A_3, %get3A_8 : vector<5000x1xf32>
    %gt3A = arith.constant 0.000000e+00 : f32
    %gt3A_9 = vector.broadcast %gt3A : f32 to vector<5000x1xf32>
    %gt3A_10 = arith.cmpf ogt, %add3A, %gt3A_9 : vector<5000x1xf32>
    %max3A = arith.constant 9.99999996E-13 : f32
    %max3A_11 = vector.broadcast %max3A : f32 to vector<5000x1xf32>
    %max3A_12 = arith.maximumf %add3A, %max3A_11 : vector<5000x1xf32>
    %rsqrt3A = math.rsqrt %max3A_12 : vector<5000x1xf32>
    %jit3A = arith.constant 0.000000e+00 : f32
    %broadcast_in_dim3A = vector.broadcast %jit3A : f32 to vector<5000x1xf32>
    %select_n3A = arith.select %gt3A_10, %rsqrt3A, %broadcast_in_dim3A : vector<5000x1xi1>, vector<5000x1xf32>
    %get3A_13 = arith.constant 0 : index
    %get3A_14 = arith.constant 0 : index
    %get3A_15 = arith.constant 0 : index
    %get3A_16 = vector.load %arg1[%get3A_13, %get3A_14, %get3A_15] : memref<2x5000x64xf32, #tpu.memory_space<vmem>>, vector<1x5000x64xf32>
    %get3A_17 = vector.shape_cast %get3A_16 : vector<1x5000x64xf32> to vector<5000x64xf32>
    %get3A_18 = arith.constant 1 : index
    %get3A_19 = arith.constant 0 : index
    %get3A_20 = arith.constant 0 : index
    %get3A_21 = vector.load %arg1[%get3A_18, %get3A_19, %get3A_20] : memref<2x5000x64xf32, #tpu.memory_space<vmem>>, vector<1x5000x64xf32>
    %get3A_22 = vector.shape_cast %get3A_21 : vector<1x5000x64xf32> to vector<5000x64xf32>
    %concatenate3A = tpu.concatenate %get3A_17, %get3A_22 in 1 : vector<5000x64xf32>, vector<5000x64xf32> -> vector<5000x128xf32>
    %mul3A = vector.broadcast %select_n3A : vector<5000x1xf32> to vector<5000x128xf32>
    %mul3A_23 = arith.mulf %concatenate3A, %mul3A : vector<5000x128xf32>
    %get3A_24 = arith.constant 0 : index
    %get3A_25 = arith.constant 0 : index
    %get3A_26 = vector.load %arg3[%get3A_24, %get3A_25] : memref<5000x128xf32, #tpu.memory_space<vmem>>, vector<5000x128xf32>
    %get3A_27 = arith.constant 0 : index
    %get3A_28 = arith.constant 0 : index
    %get3A_29 = vector.load %arg4[%get3A_27, %get3A_28] : memref<128x128xf32, #tpu.memory_space<vmem>>, vector<128x128xf32>
    %dot_general3A = arith.constant dense<0.000000e+00> : vector<5000x128xf32>
    %dot_general3A_30 = tpu.matmul %mul3A_23, %get3A_29, %dot_general3A {dimension_numbers = #tpu.dot_dimension_numbers<[1], [0], [0], [1], [0, 0, 1, 1], [], []>, transpose_lhs_hint = false} : vector<5000x128xf32>, vector<128x128xf32>, vector<5000x128xf32> -> vector<5000x128xf32>
    %get3A_31 = arith.constant 0 : index
    %get3A_32 = arith.constant 0 : index
    %get3A_33 = vector.load %arg5[%get3A_31, %get3A_32] : memref<1x128xf32, #tpu.memory_space<vmem>>, vector<1x128xf32>
    %add3A_34 = vector.broadcast %get3A_33 : vector<1x128xf32> to vector<5000x128xf32>
    %add3A_35 = arith.addf %dot_general3A_30, %add3A_34 : vector<5000x128xf32>
    %mul3A_36 = arith.mulf %get3A_26, %mul3A_23 : vector<5000x128xf32>
    %get3A_37 = arith.constant 0 : index
    %get3A_38 = arith.constant 0 : index
    %get3A_39 = vector.load %arg6[%get3A_37, %get3A_38] : memref<128x128xf32, #tpu.memory_space<vmem>>, vector<128x128xf32>
    %dot_general3A_40 = arith.constant dense<0.000000e+00> : vector<5000x128xf32>
    %dot_general3A_41 = tpu.matmul %mul3A_36, %get3A_39, %dot_general3A_40 {dimension_numbers = #tpu.dot_dimension_numbers<[1], [0], [0], [1], [0, 0, 1, 1], [], []>, transpose_lhs_hint = false} : vector<5000x128xf32>, vector<128x128xf32>, vector<5000x128xf32> -> vector<5000x128xf32>
    %get3A_42 = arith.constant 0 : index
    %get3A_43 = arith.constant 0 : index
    %get3A_44 = vector.load %arg7[%get3A_42, %get3A_43] : memref<1x128xf32, #tpu.memory_space<vmem>>, vector<1x128xf32>
    %add3A_45 = vector.broadcast %get3A_44 : vector<1x128xf32> to vector<5000x128xf32>
    %add3A_46 = arith.addf %dot_general3A_41, %add3A_45 : vector<5000x128xf32>
    %ge3A = arith.constant 0.000000e+00 : f32
    %ge3A_47 = vector.broadcast %ge3A : f32 to vector<5000x128xf32>
    %ge3A_48 = arith.cmpf oge, %add3A_35, %ge3A_47 : vector<5000x128xf32>
    %mul3A_49 = arith.constant 2.000000e-01 : f32
    %mul3A_50 = vector.broadcast %mul3A_49 : f32 to vector<5000x128xf32>
    %mul3A_51 = arith.mulf %mul3A_50, %add3A_35 : vector<5000x128xf32>
    %select_n3A_52 = arith.select %ge3A_48, %add3A_35, %mul3A_51 : vector<5000x128xi1>, vector<5000x128xf32>
    %ge3A_53 = arith.constant 0.000000e+00 : f32
    %ge3A_54 = vector.broadcast %ge3A_53 : f32 to vector<5000x128xf32>
    %ge3A_55 = arith.cmpf oge, %add3A_46, %ge3A_54 : vector<5000x128xf32>
    %mul3A_56 = arith.constant 2.000000e-01 : f32
    %mul3A_57 = vector.broadcast %mul3A_56 : f32 to vector<5000x128xf32>
    %mul3A_58 = arith.mulf %mul3A_57, %add3A_46 : vector<5000x128xf32>
    %select_n3A_59 = arith.select %ge3A_55, %add3A_46, %mul3A_58 : vector<5000x128xi1>, vector<5000x128xf32>
    %add3A_60 = arith.addf %select_n3A_52, %select_n3A_59 : vector<5000x128xf32>
    %swap3A = arith.constant 0 : index
    %swap3A_61 = arith.constant 0 : index
    %swap3A_62 = vector.load %arg8[%swap3A, %swap3A_61] : memref<5000x128xf32, #tpu.memory_space<vmem>>, vector<5000x128xf32>
    tpu.vector_store %arg8[%swap3A, %swap3A_61], %add3A_60 {strides = array<i32>} : memref<5000x128xf32, #tpu.memory_space<vmem>>, vector<5000x128xf32>,
    return
  }
  func.func @transform_0(%arg0: i32) -> (i32, i32, i32) {
    %c0_i32 = arith.constant 0 : i32
    %c0_i32_0 = arith.constant 0 : i32
    %c0_i32_1 = arith.constant 0 : i32
    return %c0_i32, %arg0, %c0_i32_0 : i32, i32, i32
  }
  func.func @transform_1(%arg0: i32) -> (i32, i32, i32) {
    %c0_i32 = arith.constant 0 : i32
    %c0_i32_0 = arith.constant 0 : i32
    %c0_i32_1 = arith.constant 0 : i32
    return %c0_i32, %arg0, %c0_i32_0 : i32, i32, i32
  }
  func.func @transform_2(%arg0: i32) -> (i32, i32) {
    %c0_i32 = arith.constant 0 : i32
    %c0_i32_0 = arith.constant 0 : i32
    return %arg0, %c0_i32 : i32, i32
  }
  func.func @transform_3(%arg0: i32) -> (i32, i32) {
    %c0_i32 = arith.constant 0 : i32
    %c0_i32_0 = arith.constant 0 : i32
    %c0_i32_1 = arith.constant 0 : i32
    return %c0_i32, %c0_i32_0 : i32, i32
  }
  func.func @transform_4(%arg0: i32) -> (i32, i32) {
    %c0_i32 = arith.constant 0 : i32
    %c0_i32_0 = arith.constant 0 : i32
    %c0_i32_1 = arith.constant 0 : i32
    return %c0_i32, %c0_i32_0 : i32, i32
  }
  func.func @transform_5(%arg0: i32) -> (i32, i32) {
    %c0_i32 = arith.constant 0 : i32
    %c0_i32_0 = arith.constant 0 : i32
    %c0_i32_1 = arith.constant 0 : i32
    return %c0_i32, %c0_i32_0 : i32, i32
  }
  func.func @transform_6(%arg0: i32) -> (i32, i32) {
    %c0_i32 = arith.constant 0 : i32
    %c0_i32_0 = arith.constant 0 : i32
    %c0_i32_1 = arith.constant 0 : i32
    return %c0_i32, %c0_i32_0 : i32, i32
  }
  func.func @transform_7(%arg0: i32) -> (i32, i32) {
    %c0_i32 = arith.constant 0 : i32
    %c0_i32_0 = arith.constant 0 : i32
    return %arg0, %c0_i32 : i32, i32
  }
}

</mosaic_0001>

<sc_bundles>
// kernel: kernel.6.cloned.1.call-start
scs
__scs_entry_jumppad:
0x0: {  	(pc) =	sbr.rel $0x88, $3  }
0x1: {  	(tag) =	ssettag $0x0;
	lr =	simm.s32 $0x1  }
0x2: {  	[smem:$0x3F9B] =	sst lr;
	_ =	strace $0xD0000000  }
0x3: {  	_ = 	snop  }
0x4: {  	_ = 	snop  }
0x5: {  	_ = 	snop  }
0x6: {  	_ = 	snop  }
0x7: {  	_ = 	snop  }
__scs_overlays_trampoline_lowered:
0x8: {  	[smem:$0x3FAA] =	sst s0  }
0x9: {  	[smem:$0x3FAB] =	sst s1  }
0xa: {  	[smem:$0x3FAC] =	sst s2  }
0xb: {  	[smem:$0x3FAD] =	sst s3  }
0xc: {  	[smem:$0x3FAE] =	sst s4  }
0xd: {  	[smem:$0x3FAF] =	sst s5  }
0xe: {  	[smem:$0x3FB0] =	sst s6  }
0xf: {  	[smem:$0x3FB1] =	sst s7  }
0x10: {  	[smem:$0x3FB2] =	sst s8  }
0x11: {  	[smem:$0x3FB3] =	sst s9;
	s0 =	simm.s32 @!p0 $0x0  }
0x12: {  	s1 =	sld [smem:$0x3F99];
	s0 =	simm.s32 @p0 $0x1  }
0x13: {  	[smem:$0x3FB4] =	sst s0;
	s0 =	simm.s32 @!p1 $0x0  }
0x14: {  	s2 =	sld [smem:$0x3F98];
	s0 =	simm.s32 @p1 $0x1  }
0x15: {  	[smem:$0x3FB5] =	sst s0;
	s0 =	simm.s32 @!p2 $0x0  }
0x16: {  	s3 =	sld [smem:$0x3FDB];
	s0 =	simm.s32 @p2 $0x1  }
0x17: {  	s4 =	simm.s32 $0x1BF5;
	[smem:$0x3FB7] =	sst s0  }
0x18: {  	s0 =	sld [smem:$0x3F9A];
	_ =	swait.ge [sflag:s4], $0x0  }
0x19: {  	s7 =	sld [smem:$0x3F9B]  }
0x1a: {  	s8 =	sadd.s32 $0xFFFFE003, lr  }
0x1b: {  	s9 =	sadd.s32 $0xFFFFFEF7, lr;
	s5 =	simm.s32 $0xFFFFFFFF;
	p2 =	slt.u32 s8, $0xFFFFF086  }
0x1c: {  	p1 =	slt.u32 s9, $0xF7A;
	s5 =	simm.s32 @!p2 $0x0  }
0x1d: {  	s5 =	simm.s32 @p1 $0x1;
	p0 =	seq.s32 s7, s2  }
0x1e: {  	s7 =	smul.u32 @!p0 $0xF7A, s2;
	p2 =	seq.s32 @!p0 s5, $0x0  }
0x1f: {  	s9 =	smul.u32 $0xF7A, s1;
	s8 =	simm.s32 @!p0 $0x1BF5;
	p2 =	por !p2, p0  }
0x20: {  	[sflag:s8] =	ssyncset.s32 @!p0 $0xFFFFF086;
	s6 =	sadd.s32 @!p0 s3, s7;
	s7 =	simm.s32 @!p0 $0x108  }
0x21: {  	s3 =	sadd.s32 s3, s9;
	s6 =	sadd.s32 @!p0 $0x88, s6;
	s7 =	simm.s32 @p2 $0x1082  }
0x22: {  	[simem:s7], [sflag:s8] =	dma.local @!p0 [hbm:s6], $0xF7A  }
0x23: {  	s9 =	sor.u32 $0xD0000000, s2;
	s6 =	simm.s32 $0x108;
	_ =	swait.ge @!p0 [sflag:s8], $0x0  }
0x24: {  	s3 =	sadd.s32 $0x88, s3;
	s6 =	simm.s32 @!p1 $0x1082;
	[sflag:s4] =	ssyncset.s32 $0xFFFFF086  }
0x25: {  	[simem:s6], [sflag:s4] =	dma.local [hbm:s3], $0xF7A  }
0x26: {  	[smem:$0x3F9B] =	sst s1;
	(tag) =	ssettag s2;
	_ =	strace s9  }
0x27: {  	s1 =	sld [smem:$0x3FAB]  }
0x28: {  	s2 =	sld [smem:$0x3FAC]  }
0x29: {  	s4 =	sld [smem:$0x3FAE]  }
0x2a: {  	p0 =	seq.s32 s5, $0x0;
	s5 =	sld [smem:$0x3FAF]  }
0x2b: {  	s6 =	sld [smem:$0x3FB0]  }
0x2c: {  	s7 =	sld [smem:$0x3FB1]  }
0x2d: {  	s3 =	simm.s32 $0x108;
	s8 =	sld [smem:$0x3FB2]  }
0x2e: {  	s3 =	simm.s32 @!p0 $0x1082;
	s9 =	sld [smem:$0x3FB3]  }
0x2f: {  	lr =	sadd.s32 s0, s3;
	s0 =	sld [smem:$0x3FAA]  }
0x30: {  	s3 =	sld [smem:$0x3FAD]  }
0x31: {  	[smem:$0x3FB6] =	sst s10  }
0x32: {  	s10 =	sld [smem:$0x3FB4];
	_ =	sdelay $0x3  }
0x33: {  	p0 =	seq.s32 s10, $0x1;
	s10 =	sld [smem:$0x3FB6];
	_ =	sdelay $0x3  }
0x34: {  	[smem:$0x3FB6] =	sst s10  }
0x35: {  	s10 =	sld [smem:$0x3FB5];
	_ =	sdelay $0x3  }
0x36: {  	p1 =	seq.s32 s10, $0x1;
	s10 =	sld [smem:$0x3FB6];
	_ =	sdelay $0x3  }
0x37: {  	[smem:$0x3FB6] =	sst s10  }
0x38: {  	s10 =	sld [smem:$0x3FB7]  }
0x39: {  	_ = 	snop;
	(pc) =	sbr.ind lr, $3  }
0x3a: {  	_ = 	snop  }
0x3b: {  	_ = 	snop  }
0x3c: {  	p2 =	seq.s32 s10, $0x1;
	s10 =	sld [smem:$0x3FB6]  }
0x3d: {  	_ =	shalt  }
0x3e: {  	_ =	shalt  }
0x3f: {  	_ =	shalt  }
0x40: {  	_ =	shalt  }
0x41: {  	_ =	shalt  }
0x42: {  	_ =	shalt  }
0x43: {  	_ =	shalt  }
0x44: {  	_ =	shalt  }
0x45: {  	_ =	shalt  }
0x46: {  	_ =	shalt  }
0x47: {  	_ =	shalt  }
0x48: {  	_ =	shalt  }
0x49: {  	_ =	shalt  }
0x4a: {  	_ =	shalt  }
0x4b: {  	_ =	shalt  }
0x4c: {  	_ =	shalt  }
0x4d: {  	_ =	shalt  }
0x4e: {  	_ =	shalt  }
0x4f: {  	_ =	shalt  }
0x50: {  	_ =	shalt  }
0x51: {  	_ =	shalt  }
0x52: {  	_ =	shalt  }
0x53: {  	_ =	shalt  }
0x54: {  	_ =	shalt  }
0x55: {  	_ =	shalt  }
0x56: {  	_ =	shalt  }
0x57: {  	_ =	shalt  }
0x58: {  	_ =	shalt  }
0x59: {  	_ =	shalt  }
0x5a: {  	_ =	shalt  }
0x5b: {  	_ =	shalt  }
0x5c: {  	_ =	shalt  }
0x5d: {  	_ =	shalt  }
0x5e: {  	_ =	shalt  }
0x5f: {  	_ =	shalt  }
0x60: {  	_ =	shalt  }
0x61: {  	_ =	shalt  }
0x62: {  	_ =	shalt  }
0x63: {  	_ =	shalt  }
0x64: {  	_ =	shalt  }
0x65: {  	_ =	shalt  }
0x66: {  	_ =	shalt  }
0x67: {  	_ =	shalt  }
0x68: {  	_ =	shalt  }
0x69: {  	_ =	shalt  }
0x6a: {  	_ =	shalt  }
0x6b: {  	_ =	shalt  }
0x6c: {  	_ =	shalt  }
0x6d: {  	_ =	shalt  }
0x6e: {  	_ =	shalt  }
0x6f: {  	_ =	shalt  }
0x70: {  	_ =	shalt  }
0x71: {  	_ =	shalt  }
0x72: {  	_ =	shalt  }
0x73: {  	_ =	shalt  }
0x74: {  	_ =	shalt  }
0x75: {  	_ =	shalt  }
0x76: {  	_ =	shalt  }
0x77: {  	_ =	shalt  }
0x78: {  	_ =	shalt  }
0x79: {  	_ =	shalt  }
0x7a: {  	_ =	shalt  }
0x7b: {  	_ =	shalt  }
0x7c: {  	_ =	shalt  }
0x7d: {  	_ =	shalt  }
0x7e: {  	_ =	shalt  }
0x7f: {  	_ =	shalt  }
0x80: {  	_ =	shalt  }
0x81: {  	_ =	shalt  }
0x82: {  	_ =	shalt  }
0x83: {  	_ =	shalt  }
0x84: {  	_ =	shalt  }
0x85: {  	_ =	shalt  }
0x86: {  	_ =	shalt  }
0x87: {  	_ =	shalt  }
.Lfunc_end0:
.L_simem_size_0:
called_computation_lowered:
.L_overlay_start_0:
0x88: {  	s2 =	sld [smem:$0x3FD9]  }
0x89: {  	s3 =	sld [smem:$0x3FFE];
	_ =	sdelay $0x1  }
0x8a: {  	s1 =	srdreg.scid  }
0x8b: {  	s0 =	sand.u32 $0x1, s1  }
0x8c: {  	s17 =	sshll.u32 s0, $0xA;
	s2 =	sadd.s32 s3, s2  }
0x8d: {  	s2 =	sadd.s32 s2, s17  }
0x8e: {  	[smem:$0x3FC2] =	sst s2  }
0x8f: {  	_ = 	snop  }
0x90: {  	s2 =	sld [smem:$0x3FD0];
	(tm) =	ssettm $0x1  }
0x91: {  	s18 =	sld [smem:$0x3FFB];
	_ =	sdelay $0x3  }
0x92: {  	_ =	strace s18  }
0x93: {  	s3 =	sld [smem:$0x3FFC];
	_ =	sdelay $0x3  }
0x94: {  	_ =	strace s3  }
0x95: {  	s3 =	sld [smem:$0x3FFD];
	_ =	sdelay $0x3  }
0x96: {  	_ =	strace s3  }
0x97: {  	_ =	strace $0x8FFFFFFF  }
0x98: {  	s19 =	sld [smem:$0x3FDB];
	_ =	sdelay $0x1  }
0x99: {  	s4 =	simm.s32 $_scs_section_size  }
0x9a: {  	s5 =	simm.s32 $_size__tile_overlayer_lowered;
	s6 =	simm.s32 $_tile_overlayer_lowered  }
0x9b: {  	s22 =	simm.s32 $0x1BFF;
	s21 =	sshll.u32 s6, $0x1;
	s3 =	sadd.s32 s4, s19  }
0x9c: {  	s7 =	simm.s32 $0x0;
	s20 =	sshll.u32 s5, $0x1;
	s5 =	sadd.s32 s21, s3  }
0x9d: {  	[timem:s7], [sflag:s22] =	dma.local [hbm:s5], s20  }
0x9e: {  	_ =	swait.ge [sflag:s22], s20  }
0x9f: {  	s4 =	ssub.s32 $0x0, s20;
	[sflag:s22] =	ssyncset.done $0x0  }
0xa0: {  	[sflag:s22] =	ssyncadd.s32 s4;
	_ =	sdelay $0x1  }
0xa1: {  	s23 =	simm.s32 $0x1B8B  }
0xa2: {  	_ =	swait.ge [sflag:s23], $0x1  }
0xa3: {  	[sflag:s23] =	ssyncset.done $0x0  }
0xa4: {  	s25 =	simm.s32 $0x1B8E;
	s24 =	sld [smem:$0x3FFE];
	[sflag:s23] =	ssyncadd.s32 $0xFFFFFFFF  }
0xa5: {  	s26 =	simm.s32 $execute0_lowered;
	[smem:$0x3FD2] =	sst s25  }
0xa6: {  	s5 =	sshll.u32 s26, $0x1;
	_ =	strace $0x80000046;
	[dreg:$0x1] =	wrdreg $0xFFFFFFFF  }
0xa7: {  	s28 =	simm.s32 $_size_execute0_lowered;
	s3 =	sadd.s32 s3, s5;
	[dreg:$0x0] =	wrdreg $0x0  }
0xa8: {  	s5 =	sshll.u32 s28, $0x1;
	[dreg:$0x2] =	wrdreg s3  }
0xa9: {  	[dreg:$0x3] =	wrdreg s5  }
0xaa: {  	[dreg:$0x4] =	wrdreg $0xC0  }
0xab: {  	_ =	task [dreg:s7], $0x5FFFF  }
0xac: {  	[dreg:$0x1] =	wrdreg $0xFFFFFFFF  }
0xad: {  	[dreg:$0x0] =	wrdreg $0x60  }
0xae: {  	[dreg:$0x2] =	wrdreg s2  }
0xaf: {  	[dreg:$0x3] =	wrdreg s24  }
0xb0: {  	[dreg:$0x4] =	wrdreg $0x43000  }
0xb1: {  	[dreg:$0x5] =	wrdreg $0x9  }
0xb2: {  	_ =	task.clear_ibuf [dreg:s7], $0x6FFFF;
	_ =	strace $0x90000046  }
0xb3: {  	s29 =	simm.s32 $0x9;
	_ =	strace $0x80000048  }
0xb4: {  	_ =	swait.ge [sflag:s29], $0x1  }
0xb5: {  	[sflag:s29] =	ssyncadd.s32 $0xFFFFFFFF  }
0xb6: {  	_ =	strace $0x90000048  }
0xb7: {  	_ =	sfence  }
0xb8: {  	s30 =	sld [smem:$0x0];
	_ =	sdelay $0x2  }
0xb9: {  	s31 =	sshll.u32 s1, $0xD;
	s1 =	sshrl.u32 s1, $0x2  }
0xba: {  	s3 =	sand.u32 $0x4000, s31;
	s1 =	sadd.s32 s1, s30  }
0xbb: {  	s0 =	sor.u32 s3, s0;
	s1 =	sshll.u32 s1, $0x11  }
0xbc: {  	s0 =	sor.u32 s1, s0  }
0xbd: {  	s0 =	sadd.s32 $0x8F2B, s0  }
0xbe: {  	[sflag:s0] =	ssyncadd.remote.s32 $0x1  }
0xbf: {  	_ =	sfence.sel $0xFFFF  }
0xc0: {  	[dreg:$0x0] =	wrdreg $0xFFFFFFFF;
	(pc) =	sbr.abs _section_cstart, $3  }
0xc1: {  	[dreg:$0x1] =	wrdreg $0xFFFFFFFF  }
0xc2: {  	_ =	task.clear_ibuf [dreg:s7], $0x2FFFF;
	_ =	strace $0x9FFFFFFF  }
0xc3: {  	(tm) =	ssettm $0x7FFFFFFF  }
tec
execute0_lowered:
.L_overlay_start_1:
0x0: {  	(tag) =	ssettag $0x1  }
0x1: {  	s4 =	rddreg [dreg:$0x0]  }
0x2: {  	s5 =	rddreg [dreg:$0x1]  }
0x3: {  	s1 =	rddreg [dreg:$0x2]  }
0x4: {  	s0 =	rddreg [dreg:$0x3]  }
0x5: {  	s3 =	simm.s32 $0x0;
	s6 =	srdreg.scid;
	s2 =	stileid.u32  }
0x6: {  	s13 =	simm.s32 $0x4000;
	s14 =	simm.s32 $0x1;
	s15 =	simm.s32 $0x2  }
0x7: {  	s16 =	simm.s32 $0x3E00;
	s17 =	simm.s32 $0x0;
	[smem:$0x7FF] =	sst s3  }
0x8: {  	s6 =	sand.u32 $0x1, s6;
	s8 =	sadd.s32 $0x1000, s5;
	s7 =	smul.u32 $0x9C0, s2  }
0x9: {  	s11 =	smul.u32 $0x270, s2;
	s12 =	sshll.u32 s2, $0xC;
	p0 =	seq.s32 s2, $0xF  }
0xa: {  	_ =	strace $0x80000047;
	s25 =	ssub.s32 $0x2, s6;
	s10 =	sshll.u32 s6, $0xB  }
0xb: {  	s6 =	smul.u32 $0x2710, s6;
	s9 =	sshrl.u32 s25, $0x1;
	s4 =	sadd.s32 s4, s10  }
0xc: {  	s28 =	sshrl.u32 s7, $0x2;
	s7 =	sadd.s32 s11, s1;
	s26 =	ssub.s32 s25, s9  }
0xd: {  	s4 =	sadd.s32 s12, s4;
	s5 =	sadd.s32 s28, s1;
	s29 =	sadd.s32 s11, s6  }
0xe: {  	s30 =	sshrl.u32 s6, $0x3;
	s6 =	sadd.s32 $0x2490, s1;
	s11 =	simm.s32 $0x3  }
0xf: {  	s12 =	simm.s32 $0x50;
	s31 =	sshrl.u32 s29, $0x3;
	s9 =	sadd.s32 s8, s30  }
0x10: {  	v0 =	vimm.f32 $1.000000000e+00;
	v1 =	vimm.f32 $0.0e+00;
	s10 =	smax.u32 s26, $0x1;
	s8 =	sadd.s32 s8, s31;
	s9 =	sadd.s32 $0x492, s9  }
.LBB2_1:
0x11: {  	[tilespmem:s3], [sflag:$0x3] =	stream.linear.gather [hbm4b:s4+s3], $0x3E80, $0x38;
	[tilespmem:$0x4578] =	vst v63  }
0x12: {  	_ =	swait.ge [sflag:s11], $0x3E80  }
0x13: {  	[sflag:s11] =	ssyncset.done $0x0  }
0x14: {  	[sflag:s11] =	ssyncadd.s32 $0xFFFFC180  }
0x15: {  	[tilespmem:$0x4000] =	vst v0  }
0x16: {  	[tilespmem:$0x4010] =	vst v0  }
0x17: {  	[tilespmem:$0x4020] =	vst v0  }
0x18: {  	[tilespmem:$0x4030] =	vst v0  }
0x19: {  	[tilespmem:$0x4040] =	vst v0  }
0x1a: {  	[tilespmem:$0x4080] =	vst v1  }
0x1b: {  	[tilespmem:$0x4090] =	vst v1  }
0x1c: {  	[tilespmem:$0x40A0] =	vst v1  }
0x1d: {  	[tilespmem:$0x40B0] =	vst v1  }
0x1e: {  	[tilespmem:$0x40C0] =	vst v1  }
0x1f: {  	[tilespmem:$0x40D0] =	vst v1  }
0x20: {  	[tilespmem:$0x40E0] =	vst v1  }
0x21: {  	[tilespmem:$0x40F0] =	vst v1  }
0x22: {  	[tilespmem:$0x4100] =	vst v1  }
0x23: {  	[tilespmem:$0x4110] =	vst v1  }
0x24: {  	[tilespmem:$0x4120] =	vst v1  }
0x25: {  	[tilespmem:$0x4130] =	vst v1  }
0x26: {  	[tilespmem:$0x4140] =	vst v1  }
0x27: {  	[tilespmem:$0x4150] =	vst v1  }
0x28: {  	[tilespmem:$0x4160] =	vst v1  }
0x29: {  	[tilespmem:$0x4170] =	vst v1  }
0x2a: {  	[tilespmem:$0x4180] =	vst v1  }
0x2b: {  	[tilespmem:$0x4190] =	vst v1  }
0x2c: {  	[tilespmem:$0x41A0] =	vst v1  }
0x2d: {  	[tilespmem:$0x41B0] =	vst v1  }
0x2e: {  	[tilespmem:$0x41C0] =	vst v1  }
0x2f: {  	[tilespmem:$0x41D0] =	vst v1  }
0x30: {  	[tilespmem:$0x41E0] =	vst v1  }
0x31: {  	[tilespmem:$0x41F0] =	vst v1  }
0x32: {  	[tilespmem:$0x4200] =	vst v1  }
0x33: {  	[tilespmem:$0x4210] =	vst v1  }
0x34: {  	[tilespmem:$0x4220] =	vst v1  }
0x35: {  	[tilespmem:$0x4230] =	vst v1  }
0x36: {  	[tilespmem:$0x4240] =	vst v1  }
0x37: {  	[tilespmem:$0x4250] =	vst v1  }
0x38: {  	[tilespmem:$0x4260] =	vst v1  }
0x39: {  	[tilespmem:$0x4270] =	vst v1  }
0x3a: {  	[tilespmem:$0x4280] =	vst v1  }
0x3b: {  	[tilespmem:$0x4290] =	vst v1  }
0x3c: {  	[tilespmem:$0x42A0] =	vst v1  }
0x3d: {  	[tilespmem:$0x42B0] =	vst v1  }
0x3e: {  	[tilespmem:$0x42C0] =	vst v1  }
0x3f: {  	[tilespmem:$0x42D0] =	vst v1  }
0x40: {  	[tilespmem:$0x42E0] =	vst v1  }
0x41: {  	s18 =	simm.s32 @p0 $0x4080;
	[tilespmem:$0x42F0] =	vst v1  }
0x42: {  	[spmem:s6] =	stream.linear.scatter @p0 [tilespmem:s18], [sflag:$0x3], $0x280, $0x38;
	[tilespmem:$0x4578] =	vst v63  }
0x43: {  	s18 =	simm.s32 @p0 $0x3  }
0x44: {  	_ =	swait.ge @p0 [sflag:s18], $0x280  }
0x45: {  	[sflag:s18] =	ssyncset.done @p0 $0x0  }
0x46: {  	[sflag:s18] =	ssyncadd.s32 @p0 $0xFFFFFD80;
	s18 =	simm.s32 @!p0 $0x4080  }
0x47: {  	[spmem:s5] =	stream.linear.scatter @!p0 [tilespmem:s18], [sflag:$0x3], $0x270, $0x38;
	[tilespmem:$0x4578] =	vst v63  }
0x48: {  	s18 =	simm.s32 @!p0 $0x3  }
0x49: {  	_ =	swait.ge @!p0 [sflag:s18], $0x270  }
0x4a: {  	[sflag:s18] =	ssyncset.done @!p0 $0x0  }
0x4b: {  	[sflag:s18] =	ssyncadd.s32 @!p0 $0xFFFFFD90  }
0x4c: {  	s30 =	simm.s32 $0x0;
	[bflag:$0x0] =	sbarrier.arrive $0xFFFF  }
0x4d: {  	[spmem:s1] =	stream.indirect.scatter.add.f32 [tilespmem:s13], [sflag:$0x1], $0x1, s30, s12, $0xb8;
	[tilespmem:$0x4578] =	vst v63  }
0x4e: {  	s31 =	simm.s32 $0x80  }
0x4f: {  	[spmem:s1] =	stream.indirect.scatter.add.f32 [tilespmem:s13], [sflag:$0x2], $0x1, s31, s12, $0xb8;
	[tilespmem:$0x4578] =	vst v63  }
0x50: {  	_ =	swait.ge [sflag:s14], $0x50  }
0x51: {  	[sflag:s14] =	ssyncset.done $0x0  }
0x52: {  	[sflag:s14] =	ssyncadd.s32 $0xFFFFFFB0  }
0x53: {  	_ =	swait.ge [sflag:s15], $0x50  }
0x54: {  	s19 =	simm.s32 $0x800;
	s18 =	simm.s32 $0x400;
	[sflag:s15] =	ssyncset.done $0x0  }
.LBB2_2:
0x55: {  	s20 =	sshra.s32 s18, $0x2  }
0x56: {  	[sflag:s15] =	ssyncadd.s32 $0xFFFFFFB0;
	s18 =	smov.u32 s19;
	s21 =	sadd.s32 $0x400, s19  }
0x57: {  	[spmem:s1] =	stream.indirect.scatter.add.f32 [tilespmem:s13], [sflag:$0x1], $0x1, s20, s12, $0xb8;
	[tilespmem:$0x4578] =	vst v63  }
0x58: {  	p1 =	sne.s32 s19, $0xF400;
	s19 =	sadd.s32 $0x80, s20  }
0x59: {  	[spmem:s1] =	stream.indirect.scatter.add.f32 [tilespmem:s13], [sflag:$0x2], $0x1, s19, s12, $0xb8;
	[tilespmem:$0x4578] =	vst v63  }
.Ltmp0:
0x5a: {  	_ =	swait.ge [sflag:s14], $0x50;
	(pc) =	sbr.rel @p1 .LBB2_2-.Ltmp0, $4  }
0x5b: {  	[sflag:s14] =	ssyncset.done $0x0  }
0x5c: {  	[sflag:s14] =	ssyncadd.s32 $0xFFFFFFB0  }
0x5d: {  	_ =	swait.ge [sflag:s15], $0x50  }
0x5e: {  	s19 =	smov.u32 s21;
	[sflag:s15] =	ssyncset.done $0x0  }
0x5f: {  	s18 =	sshra.s32 s18, $0x2;
	[sflag:s15] =	ssyncadd.s32 $0xFFFFFFB0  }
0x60: {  	[spmem:s1] =	stream.indirect.scatter.add.f32 [tilespmem:s13], [sflag:$0x1], $0x1, s18, s12, $0xb8;
	[tilespmem:$0x4578] =	vst v63  }
0x61: {  	s18 =	sadd.s32 $0x80, s18  }
0x62: {  	[spmem:s1] =	stream.indirect.scatter.add.f32 [tilespmem:s13], [sflag:$0x2], $0x1, s18, s12, $0xb8;
	[tilespmem:$0x4578] =	vst v63  }
0x63: {  	_ =	swait.ge [sflag:s14], $0x50  }
0x64: {  	[sflag:s14] =	ssyncset.done $0x0  }
0x65: {  	[sflag:s14] =	ssyncadd.s32 $0xFFFFFFB0  }
0x66: {  	_ =	swait.ge [sflag:s15], $0x50  }
0x67: {  	[sflag:s15] =	ssyncset.done $0x0  }
0x68: {  	[sflag:s15] =	ssyncadd.s32 $0xFFFFFFB0  }
0x69: {  	[spmem:s1] =	stream.indirect.scatter.add.f32 [tilespmem:s13], [sflag:$0x3], $0x1, s16, s12, $0xb8;
	[tilespmem:$0x4578] =	vst v63  }
0x6a: {  	_ =	swait.ge [sflag:s11], $0x50  }
0x6b: {  	[sflag:s11] =	ssyncset.done $0x0  }
0x6c: {  	[sflag:s11] =	ssyncadd.s32 $0xFFFFFFB0  }
0x6d: {  	s19 =	simm.s32 @p0 $0x3;
	s18 =	simm.s32 @p0 $0x4080;
	[bflag:$0x0] =	sbarrier.arrive $0xFFFF  }
0x6e: {  	[tilespmem:s18], [sflag:$0x3] =	stream.linear.gather @p0 [spmem:s6], $0x280, $0x38;
	[tilespmem:$0x4578] =	vst v63  }
0x6f: {  	_ =	swait.ge @p0 [sflag:s19], $0x280  }
0x70: {  	[sflag:s19] =	ssyncset.done @p0 $0x0  }
0x71: {  	s20 =	simm.s32 @p0 $0x0;
	[sflag:s19] =	ssyncadd.s32 @p0 $0xFFFFFD80  }
0x72: {  	[hbm4b:s9+s20] =	stream.linear.scatter @p0 [tilespmem:s18], [sflag:$0x3], $0x280, $0x38;
	[tilespmem:$0x4578] =	vst v63  }
0x73: {  	_ =	swait.ge @p0 [sflag:s19], $0x280  }
0x74: {  	[sflag:s19] =	ssyncset.done @p0 $0x0  }
0x75: {  	s18 =	simm.s32 @!p0 $0x4080;
	[sflag:s19] =	ssyncadd.s32 @p0 $0xFFFFFD80;
	s19 =	simm.s32 @!p0 $0x3  }
0x76: {  	[tilespmem:s18], [sflag:$0x3] =	stream.linear.gather @!p0 [spmem:s7], $0x270, $0x38;
	[tilespmem:$0x4578] =	vst v63  }
0x77: {  	s17 =	sadd.s32 $0x1, s17;
	_ =	swait.ge @!p0 [sflag:s19], $0x270  }
0x78: {  	p1 =	sne.s32 s17, s10;
	[sflag:s19] =	ssyncset.done @!p0 $0x0  }
.Ltmp1:
0x79: {  	s20 =	simm.s32 @!p0 $0x0;
	[sflag:s19] =	ssyncadd.s32 @!p0 $0xFFFFFD90;
	(pc) =	sbr.rel @p1 .LBB2_1-.Ltmp1, $4  }
0x7a: {  	[hbm4b:s8+s20] =	stream.linear.scatter @!p0 [tilespmem:s18], [sflag:$0x3], $0x270, $0x38;
	[tilespmem:$0x4578] =	vst v63  }
0x7b: {  	_ =	swait.ge @!p0 [sflag:s19], $0x270  }
0x7c: {  	[sflag:s19] =	ssyncset.done @!p0 $0x0  }
0x7d: {  	[sflag:s19] =	ssyncadd.s32 @!p0 $0xFFFFFD90  }
0x7e: {  	_ =	sfence.sel $0x180000  }
0x7f: {  	[bflag:$0x0] =	sbarrier.arrive $0xFFFF  }
0x80: {  	p0 =	sne.s32 s2, $0x0;
	_ =	strace $0x90000047  }
0x81: {  	s0 =	sadd.s32 @!p0 $0x100000, s0;
	[bflag:$0x2] =	sbarrier.arrive $0xFFFF  }
0x82: {  	[sflag:s0] =	ssyncadd.tile.s32 @!p0 $0x1;
	_ =	shalt  }
.Lfunc_end2:
_tile_overlayer_lowered:
.L_overlay_start_2:
0x83: {  	(tag) =	ssettag $0x2  }
0x84: {  	s0 =	rddreg [dreg:$0x0];
	s2 =	stileid.u32  }
0x85: {  	s1 =	rddreg [dreg:$0x1];
	p0 =	sne.s32 s2, $0x0  }
0x86: {  	s3 =	rddreg [dreg:$0x2];
	[bflag:$0x3] =	sbarrier.arrive $0xFFFF;
	s2 =	simm.s32 @!p0 $0x1C03  }
0x87: {  	[timem:s3], [sflag:s2] =	dma.local @!p0 [hbm:s0], s1  }
0x88: {  	s0 =	simm.s32 @!p0 $0x3  }
0x89: {  	_ =	swait.ge @!p0 [sflag:s0], s1  }
0x8a: {  	s1 =	ssub.s32 @!p0 $0x0, s1;
	[sflag:s0] =	ssyncset.done @!p0 $0x0  }
0x8b: {  	[sflag:s0] =	ssyncadd.s32 @!p0 s1  }
0x8c: {  	[bflag:$0x3] =	sbarrier.arrive $0xFFFF  }
0x8d: {  	_ =	shalt  }

// kernel: kernel.9.cloned.1.call-start
scs
__scs_entry_jumppad:
0x0: {  	(pc) =	sbr.rel $0x88, $3  }
0x1: {  	(tag) =	ssettag $0x0;
	lr =	simm.s32 $0x1  }
0x2: {  	[smem:$0x3F9B] =	sst lr;
	_ =	strace $0xD0000000  }
0x3: {  	_ = 	snop  }
0x4: {  	_ = 	snop  }
0x5: {  	_ = 	snop  }
0x6: {  	_ = 	snop  }
0x7: {  	_ = 	snop  }
__scs_overlays_trampoline_lowered:
0x8: {  	[smem:$0x3FAA] =	sst s0  }
0x9: {  	[smem:$0x3FAB] =	sst s1  }
0xa: {  	[smem:$0x3FAC] =	sst s2  }
0xb: {  	[smem:$0x3FAD] =	sst s3  }
0xc: {  	[smem:$0x3FAE] =	sst s4  }
0xd: {  	[smem:$0x3FAF] =	sst s5  }
0xe: {  	[smem:$0x3FB0] =	sst s6  }
0xf: {  	[smem:$0x3FB1] =	sst s7  }
0x10: {  	[smem:$0x3FB2] =	sst s8  }
0x11: {  	[smem:$0x3FB3] =	sst s9;
	s0 =	simm.s32 @!p0 $0x0  }
0x12: {  	s1 =	sld [smem:$0x3F99];
	s0 =	simm.s32 @p0 $0x1  }
0x13: {  	[smem:$0x3FB4] =	sst s0;
	s0 =	simm.s32 @!p1 $0x0  }
0x14: {  	s2 =	sld [smem:$0x3F98];
	s0 =	simm.s32 @p1 $0x1  }
0x15: {  	[smem:$0x3FB5] =	sst s0;
	s0 =	simm.s32 @!p2 $0x0  }
0x16: {  	s3 =	sld [smem:$0x3FDB];
	s0 =	simm.s32 @p2 $0x1  }
0x17: {  	s4 =	simm.s32 $0x1BF5;
	[smem:$0x3FB7] =	sst s0  }
0x18: {  	s0 =	sld [smem:$0x3F9A];
	_ =	swait.ge [sflag:s4], $0x0  }
0x19: {  	s7 =	sld [smem:$0x3F9B]  }
0x1a: {  	s8 =	sadd.s32 $0xFFFFE003, lr  }
0x1b: {  	s9 =	sadd.s32 $0xFFFFFEF7, lr;
	s5 =	simm.s32 $0xFFFFFFFF;
	p2 =	slt.u32 s8, $0xFFFFF086  }
0x1c: {  	p1 =	slt.u32 s9, $0xF7A;
	s5 =	simm.s32 @!p2 $0x0  }
0x1d: {  	s5 =	simm.s32 @p1 $0x1;
	p0 =	seq.s32 s7, s2  }
0x1e: {  	s7 =	smul.u32 @!p0 $0xF7A, s2;
	p2 =	seq.s32 @!p0 s5, $0x0  }
0x1f: {  	s9 =	smul.u32 $0xF7A, s1;
	s8 =	simm.s32 @!p0 $0x1BF5;
	p2 =	por !p2, p0  }
0x20: {  	[sflag:s8] =	ssyncset.s32 @!p0 $0xFFFFF086;
	s6 =	sadd.s32 @!p0 s3, s7;
	s7 =	simm.s32 @!p0 $0x108  }
0x21: {  	s3 =	sadd.s32 s3, s9;
	s6 =	sadd.s32 @!p0 $0x88, s6;
	s7 =	simm.s32 @p2 $0x1082  }
0x22: {  	[simem:s7], [sflag:s8] =	dma.local @!p0 [hbm:s6], $0xF7A  }
0x23: {  	s9 =	sor.u32 $0xD0000000, s2;
	s6 =	simm.s32 $0x108;
	_ =	swait.ge @!p0 [sflag:s8], $0x0  }
0x24: {  	s3 =	sadd.s32 $0x88, s3;
	s6 =	simm.s32 @!p1 $0x1082;
	[sflag:s4] =	ssyncset.s32 $0xFFFFF086  }
0x25: {  	[simem:s6], [sflag:s4] =	dma.local [hbm:s3], $0xF7A  }
0x26: {  	[smem:$0x3F9B] =	sst s1;
	(tag) =	ssettag s2;
	_ =	strace s9  }
0x27: {  	s1 =	sld [smem:$0x3FAB]  }
0x28: {  	s2 =	sld [smem:$0x3FAC]  }
0x29: {  	s4 =	sld [smem:$0x3FAE]  }
0x2a: {  	p0 =	seq.s32 s5, $0x0;
	s5 =	sld [smem:$0x3FAF]  }
0x2b: {  	s6 =	sld [smem:$0x3FB0]  }
0x2c: {  	s7 =	sld [smem:$0x3FB1]  }
0x2d: {  	s3 =	simm.s32 $0x108;
	s8 =	sld [smem:$0x3FB2]  }
0x2e: {  	s3 =	simm.s32 @!p0 $0x1082;
	s9 =	sld [smem:$0x3FB3]  }
0x2f: {  	lr =	sadd.s32 s0, s3;
	s0 =	sld [smem:$0x3FAA]  }
0x30: {  	s3 =	sld [smem:$0x3FAD]  }
0x31: {  	[smem:$0x3FB6] =	sst s10  }
0x32: {  	s10 =	sld [smem:$0x3FB4];
	_ =	sdelay $0x3  }
0x33: {  	p0 =	seq.s32 s10, $0x1;
	s10 =	sld [smem:$0x3FB6];
	_ =	sdelay $0x3  }
0x34: {  	[smem:$0x3FB6] =	sst s10  }
0x35: {  	s10 =	sld [smem:$0x3FB5];
	_ =	sdelay $0x3  }
0x36: {  	p1 =	seq.s32 s10, $0x1;
	s10 =	sld [smem:$0x3FB6];
	_ =	sdelay $0x3  }
0x37: {  	[smem:$0x3FB6] =	sst s10  }
0x38: {  	s10 =	sld [smem:$0x3FB7]  }
0x39: {  	_ = 	snop;
	(pc) =	sbr.ind lr, $3  }
0x3a: {  	_ = 	snop  }
0x3b: {  	_ = 	snop  }
0x3c: {  	p2 =	seq.s32 s10, $0x1;
	s10 =	sld [smem:$0x3FB6]  }
0x3d: {  	_ =	shalt  }
0x3e: {  	_ =	shalt  }
0x3f: {  	_ =	shalt  }
0x40: {  	_ =	shalt  }
0x41: {  	_ =	shalt  }
0x42: {  	_ =	shalt  }
0x43: {  	_ =	shalt  }
0x44: {  	_ =	shalt  }
0x45: {  	_ =	shalt  }
0x46: {  	_ =	shalt  }
0x47: {  	_ =	shalt  }
0x48: {  	_ =	shalt  }
0x49: {  	_ =	shalt  }
0x4a: {  	_ =	shalt  }
0x4b: {  	_ =	shalt  }
0x4c: {  	_ =	shalt  }
0x4d: {  	_ =	shalt  }
0x4e: {  	_ =	shalt  }
0x4f: {  	_ =	shalt  }
0x50: {  	_ =	shalt  }
0x51: {  	_ =	shalt  }
0x52: {  	_ =	shalt  }
0x53: {  	_ =	shalt  }
0x54: {  	_ =	shalt  }
0x55: {  	_ =	shalt  }
0x56: {  	_ =	shalt  }
0x57: {  	_ =	shalt  }
0x58: {  	_ =	shalt  }
0x59: {  	_ =	shalt  }
0x5a: {  	_ =	shalt  }
0x5b: {  	_ =	shalt  }
0x5c: {  	_ =	shalt  }
0x5d: {  	_ =	shalt  }
0x5e: {  	_ =	shalt  }
0x5f: {  	_ =	shalt  }
0x60: {  	_ =	shalt  }
0x61: {  	_ =	shalt  }
0x62: {  	_ =	shalt  }
0x63: {  	_ =	shalt  }
0x64: {  	_ =	shalt  }
0x65: {  	_ =	shalt  }
0x66: {  	_ =	shalt  }
0x67: {  	_ =	shalt  }
0x68: {  	_ =	shalt  }
0x69: {  	_ =	shalt  }
0x6a: {  	_ =	shalt  }
0x6b: {  	_ =	shalt  }
0x6c: {  	_ =	shalt  }
0x6d: {  	_ =	shalt  }
0x6e: {  	_ =	shalt  }
0x6f: {  	_ =	shalt  }
0x70: {  	_ =	shalt  }
0x71: {  	_ =	shalt  }
0x72: {  	_ =	shalt  }
0x73: {  	_ =	shalt  }
0x74: {  	_ =	shalt  }
0x75: {  	_ =	shalt  }
0x76: {  	_ =	shalt  }
0x77: {  	_ =	shalt  }
0x78: {  	_ =	shalt  }
0x79: {  	_ =	shalt  }
0x7a: {  	_ =	shalt  }
0x7b: {  	_ =	shalt  }
0x7c: {  	_ =	shalt  }
0x7d: {  	_ =	shalt  }
0x7e: {  	_ =	shalt  }
0x7f: {  	_ =	shalt  }
0x80: {  	_ =	shalt  }
0x81: {  	_ =	shalt  }
0x82: {  	_ =	shalt  }
0x83: {  	_ =	shalt  }
0x84: {  	_ =	shalt  }
0x85: {  	_ =	shalt  }
0x86: {  	_ =	shalt  }
0x87: {  	_ =	shalt  }
.Lfunc_end0:
.L_simem_size_0:
called_computation.1_lowered:
.L_overlay_start_0:
0x88: {  	s2 =	sld [smem:$0x3FD9]  }
0x89: {  	s3 =	sld [smem:$0x3FFE];
	_ =	sdelay $0x1  }
0x8a: {  	s1 =	srdreg.scid  }
0x8b: {  	s0 =	sand.u32 $0x1, s1  }
0x8c: {  	s17 =	sshll.u32 s0, $0xA;
	s2 =	sadd.s32 s3, s2  }
0x8d: {  	s2 =	sadd.s32 s2, s17  }
0x8e: {  	[smem:$0x3FC2] =	sst s2  }
0x8f: {  	_ = 	snop  }
0x90: {  	s2 =	sld [smem:$0x3FD0];
	(tm) =	ssettm $0x1  }
0x91: {  	s18 =	sld [smem:$0x3FFB];
	_ =	sdelay $0x3  }
0x92: {  	_ =	strace s18  }
0x93: {  	s3 =	sld [smem:$0x3FFC];
	_ =	sdelay $0x3  }
0x94: {  	_ =	strace s3  }
0x95: {  	s3 =	sld [smem:$0x3FFD];
	_ =	sdelay $0x3  }
0x96: {  	_ =	strace s3  }
0x97: {  	_ =	strace $0x8FFFFFFF  }
0x98: {  	s19 =	sld [smem:$0x3FDB];
	_ =	sdelay $0x1  }
0x99: {  	s4 =	simm.s32 $_scs_section_size  }
0x9a: {  	s5 =	simm.s32 $_size__tile_overlayer_lowered;
	s6 =	simm.s32 $_tile_overlayer_lowered  }
0x9b: {  	s22 =	simm.s32 $0x1BFF;
	s21 =	sshll.u32 s6, $0x1;
	s3 =	sadd.s32 s4, s19  }
0x9c: {  	s7 =	simm.s32 $0x0;
	s20 =	sshll.u32 s5, $0x1;
	s5 =	sadd.s32 s21, s3  }
0x9d: {  	[timem:s7], [sflag:s22] =	dma.local [hbm:s5], s20  }
0x9e: {  	_ =	swait.ge [sflag:s22], s20  }
0x9f: {  	s4 =	ssub.s32 $0x0, s20;
	[sflag:s22] =	ssyncset.done $0x0  }
0xa0: {  	[sflag:s22] =	ssyncadd.s32 s4;
	_ =	sdelay $0x1  }
0xa1: {  	s23 =	simm.s32 $0x1B8B  }
0xa2: {  	_ =	swait.ge [sflag:s23], $0x1  }
0xa3: {  	[sflag:s23] =	ssyncset.done $0x0  }
0xa4: {  	s25 =	simm.s32 $0x1B8E;
	s24 =	sld [smem:$0x3FFE];
	[sflag:s23] =	ssyncadd.s32 $0xFFFFFFFF  }
0xa5: {  	s26 =	simm.s32 $execute0_lowered;
	[smem:$0x3FD2] =	sst s25  }
0xa6: {  	s5 =	sshll.u32 s26, $0x1;
	_ =	strace $0x80000049;
	[dreg:$0x1] =	wrdreg $0xFFFFFFFF  }
0xa7: {  	s28 =	simm.s32 $_size_execute0_lowered;
	s3 =	sadd.s32 s3, s5;
	[dreg:$0x0] =	wrdreg $0x0  }
0xa8: {  	s5 =	sshll.u32 s28, $0x1;
	[dreg:$0x2] =	wrdreg s3  }
0xa9: {  	[dreg:$0x3] =	wrdreg s5  }
0xaa: {  	[dreg:$0x4] =	wrdreg $0xC0  }
0xab: {  	_ =	task [dreg:s7], $0x5FFFF  }
0xac: {  	[dreg:$0x1] =	wrdreg $0xFFFFFFFF  }
0xad: {  	[dreg:$0x0] =	wrdreg $0x60  }
0xae: {  	[dreg:$0x2] =	wrdreg s2  }
0xaf: {  	[dreg:$0x3] =	wrdreg s24  }
0xb0: {  	[dreg:$0x4] =	wrdreg $0x151000  }
0xb1: {  	[dreg:$0x5] =	wrdreg $0x9  }
0xb2: {  	_ =	task.clear_ibuf [dreg:s7], $0x6FFFF;
	_ =	strace $0x90000049  }
0xb3: {  	s29 =	simm.s32 $0x9;
	_ =	strace $0x8000004B  }
0xb4: {  	_ =	swait.ge [sflag:s29], $0x1  }
0xb5: {  	[sflag:s29] =	ssyncadd.s32 $0xFFFFFFFF  }
0xb6: {  	_ =	strace $0x9000004B  }
0xb7: {  	_ =	sfence  }
0xb8: {  	s30 =	sld [smem:$0x0];
	_ =	sdelay $0x2  }
0xb9: {  	s31 =	sshll.u32 s1, $0xD;
	s1 =	sshrl.u32 s1, $0x2  }
0xba: {  	s3 =	sand.u32 $0x4000, s31;
	s1 =	sadd.s32 s1, s30  }
0xbb: {  	s0 =	sor.u32 s3, s0;
	s1 =	sshll.u32 s1, $0x11  }
0xbc: {  	s0 =	sor.u32 s1, s0  }
0xbd: {  	s0 =	sadd.s32 $0x8F2B, s0  }
0xbe: {  	[sflag:s0] =	ssyncadd.remote.s32 $0x1  }
0xbf: {  	_ =	sfence.sel $0xFFFF  }
0xc0: {  	[dreg:$0x0] =	wrdreg $0xFFFFFFFF;
	(pc) =	sbr.abs _section_cstart, $3  }
0xc1: {  	[dreg:$0x1] =	wrdreg $0xFFFFFFFF  }
0xc2: {  	_ =	task.clear_ibuf [dreg:s7], $0x2FFFF;
	_ =	strace $0x9FFFFFFF  }
0xc3: {  	(tm) =	ssettm $0x7FFFFFFF  }
tec
execute0_lowered:
.L_overlay_start_1:
0x0: {  	(tag) =	ssettag $0x1  }
0x1: {  	s0 =	rddreg [dreg:$0x0]  }
0x2: {  	s1 =	rddreg [dreg:$0x1]  }
0x3: {  	s2 =	rddreg [dreg:$0x2];
	s3 =	simm.s32 $0x0  }
0x4: {  	s17 =	stileid.u32;
	s5 =	srdreg.scid;
	s16 =	simm.s32 $0x9  }
0x5: {  	s18 =	simm.s32 $0x7D;
	s19 =	simm.s32 $0xA000;
	s21 =	simm.s32 $0xBF40  }
0x6: {  	s28 =	simm.s32 $0x1;
	s29 =	simm.s32 $0x2;
	s30 =	simm.s32 $0x3  }
0x7: {  	s31 =	simm.s32 $0x4;
	s20 =	simm.s32 $0x8;
	s4 =	smul.u32 $0xA00, s17  }
0x8: {  	[smem:$0x7FF] =	sst s3;
	s5 =	sand.u32 $0x1, s5;
	s12 =	smul.u32 $0x9C00, s17  }
0x9: {  	s10 =	sadd.s32 $0x9C000, s2;
	p0 =	sne.s32 s17, $0xF;
	s17 =	simm.s32 $0x7  }
0xa: {  	_ =	strace $0x8000004A;
	s6 =	ssub.s32 $0x2, s5;
	s11 =	smul.u32 $0x9C400, s5  }
0xb: {  	s4 =	sadd.s32 s4, s1;
	s1 =	sadd.s32 $0x63C00, s1;
	s22 =	sshrl.u32 s6, $0x1  }
0xc: {  	s24 =	sadd.s32 $0x3400, s12;
	s7 =	sadd.s32 s12, s2;
	s25 =	sadd.s32 $0x6800, s12  }
0xd: {  	s15 =	ssub.s32 s6, s22;
	s23 =	sadd.s32 $0xBA00, s4;
	s14 =	sshrl.u32 s11, $0x3  }
0xe: {  	s4 =	sadd.s32 $0x1A00, s4;
	s8 =	sadd.s32 s24, s2;
	s9 =	sadd.s32 s25, s2  }
0xf: {  	s12 =	sadd.s32 s12, s11;
	s22 =	simm.s32 $0x0;
	[dreg:$0x4] =	wrdreg s23  }
0x10: {  	[dreg:$0x5] =	wrdreg s4;
	s6 =	sadd.s32 s0, s14;
	s12 =	sshrl.u32 s12, $0x3  }
0x11: {  	s0 =	sadd.s32 s11, s24;
	s4 =	sadd.s32 s11, s25;
	s26 =	sadd.s32 s1, s14  }
0x12: {  	s15 =	smax.u32 s15, $0x1;
	s23 =	simm.s32 $0xDE80;
	s25 =	simm.s32 $0xFDC0  }
0x13: {  	s11 =	sadd.s32 s1, s12;
	s0 =	sshrl.u32 s0, $0x3;
	s4 =	sshrl.u32 s4, $0x3  }
0x14: {  	s14 =	sadd.s32 $0x13800, s26;
	s26 =	simm.s32 $0x11D00;
	s12 =	sadd.s32 s1, s0  }
0x15: {  	v0 =	vimm.f32 $0.0e+00;
	s13 =	sadd.s32 s1, s4;
	s0 =	simm.s32 $0x5;
	s1 =	simm.s32 $0x6  }
.LBB2_1:
0x16: {  	s4 =	rddreg [dreg:$0x4]  }
0x17: {  	[tilespmem:s3], [sflag:$0x9] =	stream.linear.gather [hbm4b:s4+s3], $0x5000, $0x38;
	[tilespmem:$0x1ED40] =	vst v63  }
0x18: {  	_ =	swait.ge [sflag:s16], $0x5000  }
0x19: {  	[sflag:s16] =	ssyncset.done $0x0  }
0x1a: {  	s5 =	simm.s32 $0x5000;
	s24 =	rddreg [dreg:$0x5];
	[sflag:s16] =	ssyncadd.s32 $0xFFFFB000  }
0x1b: {  	[tilespmem:s5], [sflag:$0x9] =	stream.linear.gather [hbm4b:s24+s3], $0x5000, $0x38;
	[tilespmem:$0x1ED40] =	vst v63  }
0x1c: {  	_ =	swait.ge [sflag:s16], $0x5000  }
0x1d: {  	[sflag:s16] =	ssyncset.done $0x0  }
0x1e: {  	[sflag:s16] =	ssyncadd.s32 $0xFFFFB000  }
0x1f: {  	[tilespmem:s19], [sflag:$0x1] =	stream.indirect.gather [hbm4b:s6+s18], $0x40, s3, s18, $0xb8;
	[tilespmem:$0x1ED40] =	vst v63  }
0x20: {  	s24 =	simm.s32 $0x80  }
0x21: {  	[tilespmem:s21], [sflag:$0x2] =	stream.indirect.gather [hbm4b:s6+s18], $0x40, s24, s18, $0xb8;
	[tilespmem:$0x1ED40] =	vst v63  }
0x22: {  	s5 =	simm.s32 $0x100  }
0x23: {  	[tilespmem:s23], [sflag:$0x3] =	stream.indirect.gather [hbm4b:s6+s18], $0x40, s5, s18, $0xb8;
	[tilespmem:$0x1ED40] =	vst v63  }
0x24: {  	s24 =	simm.s32 $0x180  }
0x25: {  	[tilespmem:s25], [sflag:$0x4] =	stream.indirect.gather [hbm4b:s6+s18], $0x40, s24, s18, $0xb8;
	[tilespmem:$0x1ED40] =	vst v63  }
0x26: {  	s4 =	simm.s32 $0x0;
	s24 =	simm.s32 $0x100  }
.LBB2_2:
0x27: {  	p1 =	sne.s32 s24, $0xCF00;
	[tilespmem:s4+$0x11D30] =	vst v0;
	s5 =	smov.u32 s24;
	s24 =	sadd.s32 $0x100, s24  }
.Ltmp0:
0x28: {  	[tilespmem:s4+$0x11D20] =	vst v0;
	(pc) =	sbr.rel @p1 .LBB2_2-.Ltmp0, $3  }
0x29: {  	[tilespmem:s4+$0x11D00] =	vst v0  }
0x2a: {  	[tilespmem:s4+$0x11D10] =	vst v0;
	_ =	sdelay $0x1  }
0x2b: {  	s4 =	sshra.s32 s5, $0x2  }
0x2c: {  	[tilespmem:s4+$0x11D30] =	vst v0  }
0x2d: {  	[tilespmem:s4+$0x11D20] =	vst v0  }
0x2e: {  	[tilespmem:s4+$0x11D00] =	vst v0  }
0x2f: {  	[tilespmem:s4+$0x11D10] =	vst v0  }
0x30: {  	[spmem:s7] =	stream.linear.scatter [tilespmem:s26], [sflag:$0x9], $0x3400, $0x38;
	[tilespmem:$0x1ED40] =	vst v63  }
0x31: {  	_ =	swait.ge [sflag:s16], $0x3400  }
0x32: {  	[sflag:s16] =	ssyncset.done $0x0  }
0x33: {  	[sflag:s16] =	ssyncadd.s32 $0xFFFFCC00  }
0x34: {  	[spmem:s8] =	stream.linear.scatter [tilespmem:s26], [sflag:$0x9], $0x3400, $0x38;
	[tilespmem:$0x1ED40] =	vst v63  }
0x35: {  	_ =	swait.ge [sflag:s16], $0x3400  }
0x36: {  	[sflag:s16] =	ssyncset.done $0x0  }
0x37: {  	[sflag:s16] =	ssyncadd.s32 $0xFFFFCC00  }
0x38: {  	[spmem:s9] =	stream.linear.scatter [tilespmem:s26], [sflag:$0x9], $0x3400, $0x38;
	[tilespmem:$0x1ED40] =	vst v63  }
0x39: {  	_ =	swait.ge [sflag:s16], $0x3400  }
0x3a: {  	[sflag:s16] =	ssyncset.done $0x0  }
0x3b: {  	s4 =	simm.s32 @!p0 $0x11D00;
	[sflag:s16] =	ssyncadd.s32 $0xFFFFCC00  }
0x3c: {  	[spmem:s10] =	stream.linear.scatter @!p0 [tilespmem:s4], [sflag:$0x9], $0x400, $0x38;
	[tilespmem:$0x1ED40] =	vst v63  }
0x3d: {  	s4 =	simm.s32 @!p0 $0x9  }
0x3e: {  	_ =	swait.ge @!p0 [sflag:s4], $0x400  }
0x3f: {  	[sflag:s4] =	ssyncset.done @!p0 $0x0  }
0x40: {  	[sflag:s4] =	ssyncadd.s32 @!p0 $0xFFFFFC00  }
0x41: {  	[bflag:$0x0] =	sbarrier.arrive $0xFFFF  }
0x42: {  	_ =	swait.ge [sflag:s28], $0x1F40  }
0x43: {  	[sflag:s28] =	ssyncset.done $0x0  }
0x44: {  	s24 =	simm.s32 $0x5000;
	[sflag:s28] =	ssyncadd.s32 $0xFFFFE0C0  }
0x45: {  	[spmem:s2] =	stream.indirect.scatter.add.f32 [tilespmem:s19], [sflag:$0x5], $0x40, s24, s18, $0xb8;
	[tilespmem:$0x1ED40] =	vst v63  }
0x46: {  	_ =	swait.ge [sflag:s29], $0x1F40  }
0x47: {  	[sflag:s29] =	ssyncset.done $0x0  }
0x48: {  	s5 =	simm.s32 $0x5080;
	[sflag:s29] =	ssyncadd.s32 $0xFFFFE0C0  }
0x49: {  	[spmem:s2] =	stream.indirect.scatter.add.f32 [tilespmem:s21], [sflag:$0x6], $0x40, s5, s18, $0xb8;
	[tilespmem:$0x1ED40] =	vst v63  }
0x4a: {  	_ =	swait.ge [sflag:s30], $0x1F40  }
0x4b: {  	[sflag:s30] =	ssyncset.done $0x0  }
0x4c: {  	s24 =	simm.s32 $0x5100;
	[sflag:s30] =	ssyncadd.s32 $0xFFFFE0C0  }
0x4d: {  	[spmem:s2] =	stream.indirect.scatter.add.f32 [tilespmem:s23], [sflag:$0x7], $0x40, s24, s18, $0xb8;
	[tilespmem:$0x1ED40] =	vst v63  }
0x4e: {  	_ =	swait.ge [sflag:s31], $0x1F40  }
0x4f: {  	[sflag:s31] =	ssyncset.done $0x0  }
0x50: {  	s5 =	simm.s32 $0x5180;
	[sflag:s31] =	ssyncadd.s32 $0xFFFFE0C0  }
0x51: {  	[spmem:s2] =	stream.indirect.scatter.add.f32 [tilespmem:s25], [sflag:$0x8], $0x40, s5, s18, $0xb8;
	[tilespmem:$0x1ED40] =	vst v63  }
0x52: {  	_ =	swait.ge [sflag:s0], $0x1F40  }
0x53: {  	[sflag:s0] =	ssyncset.done $0x0  }
0x54: {  	s24 =	simm.s32 $0x200;
	[sflag:s0] =	ssyncadd.s32 $0xFFFFE0C0  }
0x55: {  	[tilespmem:s19], [sflag:$0x1] =	stream.indirect.gather [hbm4b:s6+s18], $0x40, s24, s18, $0xb8;
	[tilespmem:$0x1ED40] =	vst v63  }
0x56: {  	_ =	swait.ge [sflag:s1], $0x1F40  }
0x57: {  	[sflag:s1] =	ssyncset.done $0x0  }
0x58: {  	s5 =	simm.s32 $0x280;
	[sflag:s1] =	ssyncadd.s32 $0xFFFFE0C0  }
0x59: {  	[tilespmem:s21], [sflag:$0x2] =	stream.indirect.gather [hbm4b:s6+s18], $0x40, s5, s18, $0xb8;
	[tilespmem:$0x1ED40] =	vst v63  }
0x5a: {  	_ =	swait.ge [sflag:s17], $0x1F40  }
0x5b: {  	[sflag:s17] =	ssyncset.done $0x0  }
0x5c: {  	s24 =	simm.s32 $0x300;
	[sflag:s17] =	ssyncadd.s32 $0xFFFFE0C0  }
0x5d: {  	[tilespmem:s23], [sflag:$0x3] =	stream.indirect.gather [hbm4b:s6+s18], $0x40, s24, s18, $0xb8;
	[tilespmem:$0x1ED40] =	vst v63  }
0x5e: {  	_ =	swait.ge [sflag:s20], $0x1F40  }
0x5f: {  	[sflag:s20] =	ssyncset.done $0x0  }
0x60: {  	s4 =	simm.s32 $0x380;
	s24 =	simm.s32 $0x800;
	[sflag:s20] =	ssyncadd.s32 $0xFFFFE0C0  }
.LBB2_4:
0x61: {  	[tilespmem:s25], [sflag:$0x4] =	stream.indirect.gather [hbm4b:s6+s18], $0x40, s4, s18, $0xb8;
	[tilespmem:$0x1ED40] =	vst v63  }
0x62: {  	s4 =	smov.u32 s24  }
0x63: {  	p1 =	sne.s32 s24, $0x13000;
	s24 =	sadd.s32 $0x800, s24;
	_ =	swait.ge [sflag:s28], $0x1F40  }
0x64: {  	s4 =	sshra.s32 s4, $0x2;
	[sflag:s28] =	ssyncset.done $0x0  }
0x65: {  	s5 =	sadd.s32 $0x5000, s4;
	[sflag:s28] =	ssyncadd.s32 $0xFFFFE0C0  }
0x66: {  	[spmem:s2] =	stream.indirect.scatter.add.f32 [tilespmem:s19], [sflag:$0x5], $0x40, s5, s18, $0xb8;
	[tilespmem:$0x1ED40] =	vst v63  }
0x67: {  	_ =	swait.ge [sflag:s29], $0x1F40  }
0x68: {  	[sflag:s29] =	ssyncset.done $0x0  }
0x69: {  	s5 =	sadd.s32 $0x5080, s4;
	[sflag:s29] =	ssyncadd.s32 $0xFFFFE0C0  }
0x6a: {  	[spmem:s2] =	stream.indirect.scatter.add.f32 [tilespmem:s21], [sflag:$0x6], $0x40, s5, s18, $0xb8;
	[tilespmem:$0x1ED40] =	vst v63  }
0x6b: {  	_ =	swait.ge [sflag:s30], $0x1F40  }
0x6c: {  	[sflag:s30] =	ssyncset.done $0x0  }
0x6d: {  	s5 =	sadd.s32 $0x5100, s4;
	[sflag:s30] =	ssyncadd.s32 $0xFFFFE0C0  }
0x6e: {  	[spmem:s2] =	stream.indirect.scatter.add.f32 [tilespmem:s23], [sflag:$0x7], $0x40, s5, s18, $0xb8;
	[tilespmem:$0x1ED40] =	vst v63  }
0x6f: {  	_ =	swait.ge [sflag:s31], $0x1F40  }
0x70: {  	[sflag:s31] =	ssyncset.done $0x0  }
0x71: {  	s5 =	sadd.s32 $0x5180, s4;
	[sflag:s31] =	ssyncadd.s32 $0xFFFFE0C0  }
0x72: {  	[spmem:s2] =	stream.indirect.scatter.add.f32 [tilespmem:s25], [sflag:$0x8], $0x40, s5, s18, $0xb8;
	[tilespmem:$0x1ED40] =	vst v63  }
0x73: {  	_ =	swait.ge [sflag:s0], $0x1F40  }
0x74: {  	[sflag:s0] =	ssyncset.done $0x0  }
0x75: {  	s5 =	sadd.s32 $0x200, s4;
	[sflag:s0] =	ssyncadd.s32 $0xFFFFE0C0  }
0x76: {  	[tilespmem:s19], [sflag:$0x1] =	stream.indirect.gather [hbm4b:s6+s18], $0x40, s5, s18, $0xb8;
	[tilespmem:$0x1ED40] =	vst v63  }
0x77: {  	_ =	swait.ge [sflag:s1], $0x1F40  }
0x78: {  	[sflag:s1] =	ssyncset.done $0x0  }
0x79: {  	s5 =	sadd.s32 $0x280, s4;
	[sflag:s1] =	ssyncadd.s32 $0xFFFFE0C0  }
0x7a: {  	[tilespmem:s21], [sflag:$0x2] =	stream.indirect.gather [hbm4b:s6+s18], $0x40, s5, s18, $0xb8;
	[tilespmem:$0x1ED40] =	vst v63  }
0x7b: {  	_ =	swait.ge [sflag:s17], $0x1F40  }
0x7c: {  	[sflag:s17] =	ssyncset.done $0x0  }
.Ltmp1:
0x7d: {  	s5 =	sadd.s32 $0x300, s4;
	[sflag:s17] =	ssyncadd.s32 $0xFFFFE0C0;
	(pc) =	sbr.rel @p1 .LBB2_4-.Ltmp1, $4  }
0x7e: {  	[tilespmem:s23], [sflag:$0x3] =	stream.indirect.gather [hbm4b:s6+s18], $0x40, s5, s18, $0xb8;
	[tilespmem:$0x1ED40] =	vst v63  }
0x7f: {  	_ =	swait.ge [sflag:s20], $0x1F40  }
0x80: {  	[sflag:s20] =	ssyncset.done $0x0  }
0x81: {  	s4 =	sadd.s32 $0x380, s4;
	[sflag:s20] =	ssyncadd.s32 $0xFFFFE0C0  }
0x82: {  	[tilespmem:s25], [sflag:$0x4] =	stream.indirect.gather [hbm4b:s6+s18], $0x40, s4, s18, $0xb8;
	[tilespmem:$0x1ED40] =	vst v63  }
0x83: {  	_ =	swait.ge [sflag:s28], $0x1F40  }
0x84: {  	[sflag:s28] =	ssyncset.done $0x0  }
0x85: {  	s5 =	simm.s32 $0x9E00;
	[sflag:s28] =	ssyncadd.s32 $0xFFFFE0C0  }
0x86: {  	[spmem:s2] =	stream.indirect.scatter.add.f32 [tilespmem:s19], [sflag:$0x5], $0x40, s5, s18, $0xb8;
	[tilespmem:$0x1ED40] =	vst v63  }
0x87: {  	_ =	swait.ge [sflag:s29], $0x1F40  }
0x88: {  	[sflag:s29] =	ssyncset.done $0x0  }
0x89: {  	s24 =	simm.s32 $0x9E80;
	[sflag:s29] =	ssyncadd.s32 $0xFFFFE0C0  }
0x8a: {  	[spmem:s2] =	stream.indirect.scatter.add.f32 [tilespmem:s21], [sflag:$0x6], $0x40, s24, s18, $0xb8;
	[tilespmem:$0x1ED40] =	vst v63  }
0x8b: {  	_ =	swait.ge [sflag:s30], $0x1F40  }
0x8c: {  	[sflag:s30] =	ssyncset.done $0x0  }
0x8d: {  	s5 =	simm.s32 $0x9F00;
	[sflag:s30] =	ssyncadd.s32 $0xFFFFE0C0  }
0x8e: {  	[spmem:s2] =	stream.indirect.scatter.add.f32 [tilespmem:s23], [sflag:$0x7], $0x40, s5, s18, $0xb8;
	[tilespmem:$0x1ED40] =	vst v63  }
0x8f: {  	_ =	swait.ge [sflag:s31], $0x1F40  }
0x90: {  	[sflag:s31] =	ssyncset.done $0x0  }
0x91: {  	s24 =	simm.s32 $0x9F80;
	[sflag:s31] =	ssyncadd.s32 $0xFFFFE0C0  }
0x92: {  	[spmem:s2] =	stream.indirect.scatter.add.f32 [tilespmem:s25], [sflag:$0x8], $0x40, s24, s18, $0xb8;
	[tilespmem:$0x1ED40] =	vst v63  }
0x93: {  	_ =	swait.ge [sflag:s0], $0x1F40  }
0x94: {  	[sflag:s0] =	ssyncset.done $0x0  }
0x95: {  	[sflag:s0] =	ssyncadd.s32 $0xFFFFE0C0  }
0x96: {  	_ =	swait.ge [sflag:s1], $0x1F40  }
0x97: {  	[sflag:s1] =	ssyncset.done $0x0  }
0x98: {  	[sflag:s1] =	ssyncadd.s32 $0xFFFFE0C0  }
0x99: {  	_ =	swait.ge [sflag:s17], $0x1F40  }
0x9a: {  	[sflag:s17] =	ssyncset.done $0x0  }
0x9b: {  	[sflag:s17] =	ssyncadd.s32 $0xFFFFE0C0  }
0x9c: {  	_ =	swait.ge [sflag:s20], $0x1F40  }
0x9d: {  	[sflag:s20] =	ssyncset.done $0x0  }
0x9e: {  	[sflag:s20] =	ssyncadd.s32 $0xFFFFE0C0  }
0x9f: {  	[bflag:$0x0] =	sbarrier.arrive $0xFFFF  }
0xa0: {  	[tilespmem:s26], [sflag:$0x9] =	stream.linear.gather [spmem:s7], $0x3400, $0x38;
	[tilespmem:$0x1ED40] =	vst v63  }
0xa1: {  	_ =	swait.ge [sflag:s16], $0x3400  }
0xa2: {  	[sflag:s16] =	ssyncset.done $0x0  }
0xa3: {  	[sflag:s16] =	ssyncadd.s32 $0xFFFFCC00  }
0xa4: {  	[hbm4b:s11+s3] =	stream.linear.scatter [tilespmem:s26], [sflag:$0x9], $0x3400, $0x38;
	[tilespmem:$0x1ED40] =	vst v63  }
0xa5: {  	_ =	swait.ge [sflag:s16], $0x3400  }
0xa6: {  	[sflag:s16] =	ssyncset.done $0x0  }
0xa7: {  	[sflag:s16] =	ssyncadd.s32 $0xFFFFCC00  }
0xa8: {  	[tilespmem:s26], [sflag:$0x9] =	stream.linear.gather [spmem:s8], $0x3400, $0x38;
	[tilespmem:$0x1ED40] =	vst v63  }
0xa9: {  	_ =	swait.ge [sflag:s16], $0x3400  }
0xaa: {  	[sflag:s16] =	ssyncset.done $0x0  }
0xab: {  	[sflag:s16] =	ssyncadd.s32 $0xFFFFCC00  }
0xac: {  	[hbm4b:s12+s3] =	stream.linear.scatter [tilespmem:s26], [sflag:$0x9], $0x3400, $0x38;
	[tilespmem:$0x1ED40] =	vst v63  }
0xad: {  	_ =	swait.ge [sflag:s16], $0x3400  }
0xae: {  	[sflag:s16] =	ssyncset.done $0x0  }
0xaf: {  	[sflag:s16] =	ssyncadd.s32 $0xFFFFCC00  }
0xb0: {  	[tilespmem:s26], [sflag:$0x9] =	stream.linear.gather [spmem:s9], $0x3400, $0x38;
	[tilespmem:$0x1ED40] =	vst v63  }
0xb1: {  	_ =	swait.ge [sflag:s16], $0x3400  }
0xb2: {  	[sflag:s16] =	ssyncset.done $0x0  }
0xb3: {  	[sflag:s16] =	ssyncadd.s32 $0xFFFFCC00  }
0xb4: {  	[hbm4b:s13+s3] =	stream.linear.scatter [tilespmem:s26], [sflag:$0x9], $0x3400, $0x38;
	[tilespmem:$0x1ED40] =	vst v63  }
0xb5: {  	_ =	swait.ge [sflag:s16], $0x3400  }
0xb6: {  	[sflag:s16] =	ssyncset.done $0x0  }
0xb7: {  	s4 =	simm.s32 @!p0 $0x11D00;
	s5 =	simm.s32 @!p0 $0x9;
	[sflag:s16] =	ssyncadd.s32 $0xFFFFCC00  }
0xb8: {  	[tilespmem:s4], [sflag:$0x9] =	stream.linear.gather @!p0 [spmem:s10], $0x400, $0x38;
	[tilespmem:$0x1ED40] =	vst v63  }
0xb9: {  	s22 =	sadd.s32 $0x1, s22;
	_ =	swait.ge @!p0 [sflag:s5], $0x400  }
0xba: {  	p1 =	sne.s32 s22, s15;
	[sflag:s5] =	ssyncset.done @!p0 $0x0  }
.Ltmp2:
0xbb: {  	s24 =	simm.s32 @!p0 $0x0;
	[sflag:s5] =	ssyncadd.s32 @!p0 $0xFFFFFC00;
	(pc) =	sbr.rel @p1 .LBB2_1-.Ltmp2, $4  }
0xbc: {  	[hbm4b:s14+s24] =	stream.linear.scatter @!p0 [tilespmem:s4], [sflag:$0x9], $0x400, $0x38;
	[tilespmem:$0x1ED40] =	vst v63  }
0xbd: {  	_ =	swait.ge @!p0 [sflag:s5], $0x400  }
0xbe: {  	[sflag:s5] =	ssyncset.done @!p0 $0x0  }
0xbf: {  	[sflag:s5] =	ssyncadd.s32 @!p0 $0xFFFFFC00  }
0xc0: {  	_ =	sfence.sel $0x180000  }
0xc1: {  	[bflag:$0x0] =	sbarrier.arrive $0xFFFF  }
0xc2: {  	_ =	strace $0x9000004A  }
0xc3: {  	s0 =	stileid.u32;
	[bflag:$0x2] =	sbarrier.arrive $0xFFFF  }
0xc4: {  	p0 =	sne.s32 s0, $0x0;
	s0 =	rddreg [dreg:$0x3]  }
0xc5: {  	s0 =	sadd.s32 @!p0 $0x100000, s0  }
0xc6: {  	[sflag:s0] =	ssyncadd.tile.s32 @!p0 $0x1;
	_ =	shalt  }
.Lfunc_end2:
_tile_overlayer_lowered:
.L_overlay_start_2:
0xc7: {  	(tag) =	ssettag $0x2  }
0xc8: {  	s0 =	rddreg [dreg:$0x0];
	s2 =	stileid.u32  }
0xc9: {  	s1 =	rddreg [dreg:$0x1];
	p0 =	sne.s32 s2, $0x0  }
0xca: {  	s3 =	rddreg [dreg:$0x2];
	[bflag:$0x3] =	sbarrier.arrive $0xFFFF;
	s2 =	simm.s32 @!p0 $0x1C09  }
0xcb: {  	[timem:s3], [sflag:s2] =	dma.local @!p0 [hbm:s0], s1  }
0xcc: {  	s0 =	simm.s32 @!p0 $0x9  }
0xcd: {  	_ =	swait.ge @!p0 [sflag:s0], s1  }
0xce: {  	s1 =	ssub.s32 @!p0 $0x0, s1;
	[sflag:s0] =	ssyncset.done @!p0 $0x0  }
0xcf: {  	[sflag:s0] =	ssyncadd.s32 @!p0 s1  }
0xd0: {  	[bflag:$0x3] =	sbarrier.arrive $0xFFFF  }
0xd1: {  	_ =	shalt  }

</sc_bundles>
